<compile_context>
chip_gen: v7x
topology: tpu7x:2x2x1
jax: 0.10.2.dev20260603
libtpu: 0.0.44.dev20260713+nightly
codegen_flags: <defaults>
</compile_context>

<pallas_src>
import functools

import jax
import jax.numpy as jnp
from jax import lax
from jax.experimental import pallas as pl
from jax.experimental.pallas import tpu as pltpu
from jax.experimental.pallas import tpu_sc as plsc

D = 64
BSTEP = 256
NW = 32
LANES = 16


@jax.jit
def _gather_t(xT, table):
    n_t, n_b = xT.shape
    b_per_w = n_b // NW
    halves = b_per_w // BSTEP
    n_steps = n_t * halves
    mesh = plsc.VectorSubcoreMesh(core_axis_name="c", subcore_axis_name="s")

    @functools.partial(
        pl.kernel,
        out_type=jax.ShapeDtypeStruct((n_t, D, n_b), jnp.float32),
        mesh=mesh,
        scratch_types=[
            pltpu.VMEM((BSTEP,), jnp.int32),
            pltpu.VMEM((BSTEP,), jnp.int32),
            pltpu.VMEM((BSTEP, D), jnp.float32),
            pltpu.VMEM((BSTEP, D), jnp.float32),
            pltpu.VMEM((D, BSTEP + 1), jnp.float32),
            pltpu.VMEM((D, BSTEP + 1), jnp.float32),
            pltpu.SemaphoreType.DMA,
            pltpu.SemaphoreType.DMA,
            pltpu.SemaphoreType.DMA,
            pltpu.SemaphoreType.DMA,
            pltpu.SemaphoreType.DMA,
            pltpu.SemaphoreType.DMA,
        ],
        compiler_params=pltpu.CompilerParams(use_tc_tiling_on_sc=False,
                                             needs_layout_passes=False),
    )
    def k(xT_hbm, table_hbm, p_hbm, idx_v0, idx_v1, rows_v0, rows_v1,
          tr_v0, tr_v1, sem_i0, sem_i1, sem_g0, sem_g1, sem_o0, sem_o1):
        idx_bufs = [idx_v0, idx_v1]
        row_bufs = [rows_v0, rows_v1]
        tr_bufs = [tr_v0, tr_v1]
        sem_i = [sem_i0, sem_i1]
        sem_g = [sem_g0, sem_g1]
        sem_o = [sem_o0, sem_o1]

        wid = lax.axis_index("s") * 2 + lax.axis_index("c")
        col0 = wid * b_per_w
        riota = lax.iota(jnp.int32, LANES)

        def idx_slice(s):
            return xT_hbm.at[s // halves,
                             pl.ds(col0 + (s % halves) * BSTEP, BSTEP)]

        def out_slice(s):
            return p_hbm.at[s // halves, :,
                            pl.ds(col0 + (s % halves) * BSTEP, BSTEP)]

        def tr_src(b):
            return tr_bufs[b].at[:, pl.ds(0, BSTEP)]

        def gather(b):
            return pltpu.make_async_copy(
                table_hbm.at[idx_bufs[b]], row_bufs[b], sem_g[b])

        def transpose(b):
            rows, tr = row_bufs[b], tr_bufs[b]

            def c_body(c8, carry):
                vals = []
                for u in range(8):
                    c = c8 * 8 + u
                    for dg in range(D // LANES):
                        vals.append(rows[c, pl.ds(dg * LANES, LANES)])
                for u in range(8):
                    c = c8 * 8 + u
                    csplat = riota * 0 + c
                    for dg in range(D // LANES):
                        plsc.store_scatter(
                            tr, [riota + dg * LANES, csplat],
                            vals[u * (D // LANES) + dg])
                return carry

            lax.fori_loop(0, BSTEP // 8, c_body, 0)

        for b in range(2):
            pltpu.async_copy(idx_slice(b), idx_bufs[b], sem_i[b])
        pltpu.make_async_copy(idx_slice(0), idx_bufs[0], sem_i[0]).wait()
        gather(0).start()

        def body(g2, carry):
            g = g2 * 2
            for b in range(2):
                s = g + b
                gather(b).wait()

                @pl.when(s + 1 < n_steps)
                def _next_gather():
                    pltpu.make_async_copy(
                        idx_slice(s + 1), idx_bufs[1 - b],
                        sem_i[1 - b]).wait()
                    gather(1 - b).start()

                @pl.when(s + 2 < n_steps)
                def _prefetch_idx():
                    pltpu.async_copy(idx_slice(s + 2), idx_bufs[b],
                                     sem_i[b])

                @pl.when(s >= 2)
                def _wait_out():
                    pltpu.make_async_copy(
                        tr_src(b), out_slice(s), sem_o[b]).wait()

                transpose(b)
                pltpu.async_copy(tr_src(b), out_slice(s), sem_o[b])
            return carry

        lax.fori_loop(0, n_steps // 2, body, 0)
        for b in range(2):
            pltpu.make_async_copy(
                tr_src(b), out_slice(n_steps - 2 + b), sem_o[b]).wait()

    return k(xT, table)


def kernel(x, table):
    p = _gather_t(x.T, table)
    return jnp.transpose(p, (2, 0, 1))

# --- scband reference (transcript-rebuilt; emitter-appended) ---
"""Pipeline reference for scband-token-embedding-7069516169384 (READ-ONLY COPY).

The authoritative reference and input builder live on the scoring server;
editing this copy changes nothing except your own understanding.
"""

import jax, jax.numpy as jnp
import numpy as np

D_MODEL = 64
NUM_TOKENS = 1000000

def setup_inputs(seed: int = 0) -> dict:
    key = jax.random.key(seed)
    k1, k2 = jax.random.split(key)
    x = jax.random.randint(k1, (16384, 200), 0, NUM_TOKENS, dtype=jnp.int64 if jax.config.jax_enable_x64 else jnp.int32)
    # Embedding table, initialized like torch.nn.Embedding (N(0,1))
    table = jax.random.normal(k2, (NUM_TOKENS, D_MODEL), dtype=jnp.float32)
    return {"x": x, "table": table}

def reference(x, table):
    # torch.nn.Embedding forward == row gather from table
    return jnp.take(table, x, axis=0)

if __name__ == "__main__":
    import jax
    _d = setup_inputs()
    print(jax.jit(kernel)(*tuple(_d.values())))

</pallas_src>

<mosaic_0001>
#map = affine_map<(d0, d1) -> (0, 0)>
#map1 = affine_map<(d0, d1) -> (0, 0, 0)>
module attributes {stable_mosaic.version = 14 : i64} {
  func.func @k(%arg0: i32, %arg1: i32, %arg2: memref<200x16384xi32, #tpu.memory_space<hbm>>, %arg3: memref<1000000x64xf32, #tpu.memory_space<hbm>>, %arg4: memref<200x64x16384xf32, #tpu.memory_space<hbm>>, %arg5: memref<256xi32, #tpu.memory_space<vmem>>, %arg6: memref<256xi32, #tpu.memory_space<vmem>>, %arg7: memref<256x64xf32, #tpu.memory_space<vmem>>, %arg8: memref<256x64xf32, #tpu.memory_space<vmem>>, %arg9: memref<64x257xf32, #tpu.memory_space<vmem>>, %arg10: memref<64x257xf32, #tpu.memory_space<vmem>>, %arg11: memref<!tpu.dma_semaphore, #tpu.memory_space<semaphore_mem>>, %arg12: memref<!tpu.dma_semaphore, #tpu.memory_space<semaphore_mem>>, %arg13: memref<!tpu.dma_semaphore, #tpu.memory_space<semaphore_mem>>, %arg14: memref<!tpu.dma_semaphore, #tpu.memory_space<semaphore_mem>>, %arg15: memref<!tpu.dma_semaphore, #tpu.memory_space<semaphore_mem>>, %arg16: memref<!tpu.dma_semaphore, #tpu.memory_space<semaphore_mem>>) attributes {dimension_semantics = [#tpu.dimension_semantics<core_parallel>, #tpu.dimension_semantics<subcore_parallel>], iteration_bounds = array<i64: 2, 16>, scalar_prefetch = 0 : i64, scratch_operands = 12 : i64, tpu.core_type = #tpu.core_type<sc_vector_subcore>, window_params = [{transform_indices = #map}, {transform_indices = #map}, {transform_indices = #map1}]} {
    %mul3A = arith.constant 2 : i32
    %mul3A_0 = arith.muli %arg1, %mul3A : i32
    %add3A = arith.addi %mul3A_0, %arg0 : i32
    %mul3A_1 = arith.constant 512 : i32
    %mul3A_2 = arith.muli %add3A, %mul3A_1 : i32
    %iota3A = tpu.iota {dimensions = array<i32: 0>} : vector<16xi32>
    %add3A_3 = arith.constant 0 : i32
    %add3A_4 = arith.addi %mul3A_2, %add3A_3 : i32
    %dma_start3A = arith.constant 0 : i32
    %dma_start3A_5 = tpu.memref_slice %arg2[%dma_start3A, %add3A_4] : memref<200x16384xi32, #tpu.memory_space<hbm>> -> memref<1x256xi32, #tpu.memory_space<hbm>>
    %dma_start3A_6 = tpu.memref_squeeze %dma_start3A_5 : memref<1x256xi32, #tpu.memory_space<hbm>> -> memref<256xi32, #tpu.memory_space<hbm>>
    %dma_start3A_7 = tpu.memref_slice %arg2[%dma_start3A, %add3A_4] : memref<200x16384xi32, #tpu.memory_space<hbm>> -> memref<1x256xi32, #tpu.memory_space<hbm>>
    %dma_start3A_8 = tpu.memref_squeeze %dma_start3A_7 : memref<1x256xi32, #tpu.memory_space<hbm>> -> memref<256xi32, #tpu.memory_space<hbm>>
    tpu.enqueue_dma source(%dma_start3A_8 : memref<256xi32, #tpu.memory_space<hbm>>) target(%arg5 : memref<256xi32, #tpu.memory_space<vmem>>) target_semaphore(%arg11 : memref<!tpu.dma_semaphore, #tpu.memory_space<semaphore_mem>>)
    %add3A_9 = arith.constant 256 : i32
    %add3A_10 = arith.addi %mul3A_2, %add3A_9 : i32
    %dma_start3A_11 = arith.constant 0 : i32
    %dma_start3A_12 = tpu.memref_slice %arg2[%dma_start3A_11, %add3A_10] : memref<200x16384xi32, #tpu.memory_space<hbm>> -> memref<1x256xi32, #tpu.memory_space<hbm>>
    %dma_start3A_13 = tpu.memref_squeeze %dma_start3A_12 : memref<1x256xi32, #tpu.memory_space<hbm>> -> memref<256xi32, #tpu.memory_space<hbm>>
    %dma_start3A_14 = tpu.memref_slice %arg2[%dma_start3A_11, %add3A_10] : memref<200x16384xi32, #tpu.memory_space<hbm>> -> memref<1x256xi32, #tpu.memory_space<hbm>>
    %dma_start3A_15 = tpu.memref_squeeze %dma_start3A_14 : memref<1x256xi32, #tpu.memory_space<hbm>> -> memref<256xi32, #tpu.memory_space<hbm>>
    tpu.enqueue_dma source(%dma_start3A_15 : memref<256xi32, #tpu.memory_space<hbm>>) target(%arg6 : memref<256xi32, #tpu.memory_space<vmem>>) target_semaphore(%arg12 : memref<!tpu.dma_semaphore, #tpu.memory_space<semaphore_mem>>)
    %add3A_16 = arith.constant 0 : i32
    %add3A_17 = arith.addi %mul3A_2, %add3A_16 : i32
    %dma_wait3A = arith.constant 0 : i32
    %dma_wait3A_18 = tpu.memref_slice %arg2[%dma_wait3A, %add3A_17] : memref<200x16384xi32, #tpu.memory_space<hbm>> -> memref<1x256xi32, #tpu.memory_space<hbm>>
    %dma_wait3A_19 = tpu.memref_squeeze %dma_wait3A_18 : memref<1x256xi32, #tpu.memory_space<hbm>> -> memref<256xi32, #tpu.memory_space<hbm>>
    %dma_wait3A_20 = tpu.memref_slice %arg2[%dma_wait3A, %add3A_17] : memref<200x16384xi32, #tpu.memory_space<hbm>> -> memref<1x256xi32, #tpu.memory_space<hbm>>
    %dma_wait3A_21 = tpu.memref_squeeze %dma_wait3A_20 : memref<1x256xi32, #tpu.memory_space<hbm>> -> memref<256xi32, #tpu.memory_space<hbm>>
    tpu.wait_dma2 semaphore(%arg11 : memref<!tpu.dma_semaphore, #tpu.memory_space<semaphore_mem>>) src(%dma_wait3A_21 : memref<256xi32, #tpu.memory_space<hbm>>) dst(%arg5 : memref<256xi32, #tpu.memory_space<vmem>>)
    %dma_start3A_22 = arith.constant 0 : i32
    %dma_start3A_23 = arith.constant 0 : i32
    %dma_start3A_24 = tpu.memref_slice %arg3[%dma_start3A_22, %dma_start3A_23] : memref<1000000x64xf32, #tpu.memory_space<hbm>> -> memref<1000000x64xf32, #tpu.memory_space<hbm>>
    tpu.enqueue_indirect_dma source(%dma_start3A_24 : memref<1000000x64xf32, #tpu.memory_space<hbm>>) target(%arg7 : memref<256x64xf32, #tpu.memory_space<vmem>>) offsets(%arg5 : memref<256xi32, #tpu.memory_space<vmem>>) semaphore(%arg13 : memref<!tpu.dma_semaphore, #tpu.memory_space<semaphore_mem>>)
    %scan3A = arith.constant 0 : i32
    %scan3A_25 = arith.constant 0 : i32
    %scan3A_26 = arith.constant 200 : i32
    %scan3A_27 = arith.addi %scan3A_25, %scan3A_26 : i32
    %scan3A_28 = arith.constant 1 : i32
    scf.for %scan3A_60 = %scan3A_25 to %scan3A_27 step %scan3A_28  : i32 {
      %mul3A_61 = arith.constant 2 : i32
      %mul3A_62 = arith.muli %scan3A_60, %mul3A_61 : i32
      %add3A_63 = arith.constant 0 : i32
      %add3A_64 = arith.addi %mul3A_62, %add3A_63 : i32
      %dma_wait3A_65 = arith.constant 0 : i32
      %dma_wait3A_66 = arith.constant 0 : i32
      %dma_wait3A_67 = tpu.memref_slice %arg3[%dma_wait3A_65, %dma_wait3A_66] : memref<1000000x64xf32, #tpu.memory_space<hbm>> -> memref<1000000x64xf32, #tpu.memory_space<hbm>>
      tpu.wait_indirect_dma semaphore(%arg13 : memref<!tpu.dma_semaphore, #tpu.memory_space<semaphore_mem>>) src(%dma_wait3A_67 : memref<1000000x64xf32, #tpu.memory_space<hbm>>) dst(%arg7 : memref<256x64xf32, #tpu.memory_space<vmem>>)
      %add3A_68 = arith.constant 1 : i32
      %add3A_69 = arith.addi %add3A_64, %add3A_68 : i32
      %lt3A = arith.constant 400 : i32
      %lt3A_70 = arith.cmpi slt, %add3A_69, %lt3A : i32
      %convert_element_type3A = arith.extui %lt3A_70 : i1 to i32
      %cond3A = arith.constant 0 : i32
      %cond3A_71 = arith.cmpi ne, %convert_element_type3A, %cond3A : i32
      scf.if %cond3A_71 {
        %add3A_220 = arith.constant 1 : i32
        %add3A_221 = arith.addi %add3A_64, %add3A_220 : i32
        %jit3A_222 = arith.constant 2 : i32
        %div3A_223 = arith.divsi %add3A_221, %jit3A_222 : i32
        %sign3A_224 = arith.constant 0 : i32
        %sign3A_225 = arith.cmpi sgt, %add3A_221, %sign3A_224 : i32
        %sign3A_226 = arith.extui %sign3A_225 : i1 to i32
        %sign3A_227 = arith.constant 0 : i32
        %sign3A_228 = arith.cmpi slt, %add3A_221, %sign3A_227 : i32
        %sign3A_229 = arith.extui %sign3A_228 : i1 to i32
        %sign3A_230 = arith.subi %sign3A_226, %sign3A_229 : i32
        %sign3A_231 = arith.constant 0 : i32
        %sign3A_232 = arith.cmpi sgt, %jit3A_222, %sign3A_231 : i32
        %sign3A_233 = arith.extui %sign3A_232 : i1 to i32
        %sign3A_234 = arith.constant 0 : i32
        %sign3A_235 = arith.cmpi slt, %jit3A_222, %sign3A_234 : i32
        %sign3A_236 = arith.extui %sign3A_235 : i1 to i32
        %sign3A_237 = arith.subi %sign3A_233, %sign3A_236 : i32
        %ne3A_238 = arith.cmpi ne, %sign3A_230, %sign3A_237 : i32
        %rem3A_239 = arith.remsi %add3A_221, %jit3A_222 : i32
        %ne3A_240 = arith.constant 0 : i32
        %ne3A_241 = arith.cmpi ne, %rem3A_239, %ne3A_240 : i32
        %and3A_242 = arith.andi %ne3A_238, %ne3A_241 : i1
        %sub3A_243 = arith.constant 1 : i32
        %sub3A_244 = arith.subi %div3A_223, %sub3A_243 : i32
        %select_n3A_245 = arith.select %and3A_242, %sub3A_244, %div3A_223 : i32
        %jit3A_246 = arith.constant 2 : i32
        %eq3A_247 = arith.constant 0 : i32
        %eq3A_248 = arith.cmpi eq, %jit3A_246, %eq3A_247 : i32
        %jit3A_249 = arith.constant 1 : i32
        %select_n3A_250 = arith.select %eq3A_248, %jit3A_249, %jit3A_246 : i32
        %rem3A_251 = arith.remsi %add3A_221, %select_n3A_250 : i32
        %ne3A_252 = arith.constant 0 : i32
        %ne3A_253 = arith.cmpi ne, %rem3A_251, %ne3A_252 : i32
        %lt3A_254 = arith.constant 0 : i32
        %lt3A_255 = arith.cmpi slt, %rem3A_251, %lt3A_254 : i32
        %lt3A_256 = arith.constant 0 : i32
        %lt3A_257 = arith.cmpi slt, %select_n3A_250, %lt3A_256 : i32
        %ne3A_258 = arith.xori %lt3A_255, %lt3A_257 : i1
        %and3A_259 = arith.andi %ne3A_258, %ne3A_253 : i1
        %add3A_260 = arith.addi %rem3A_251, %select_n3A_250 : i32
        %select_n3A_261 = arith.select %and3A_259, %add3A_260, %rem3A_251 : i32
        %mul3A_262 = arith.constant 256 : i32
        %mul3A_263 = arith.muli %select_n3A_261, %mul3A_262 : i32
        %add3A_264 = arith.addi %mul3A_2, %mul3A_263 : i32
        %dma_wait3A_265 = tpu.memref_slice %arg2[%select_n3A_245, %add3A_264] : memref<200x16384xi32, #tpu.memory_space<hbm>> -> memref<1x256xi32, #tpu.memory_space<hbm>>
        %dma_wait3A_266 = tpu.memref_squeeze %dma_wait3A_265 : memref<1x256xi32, #tpu.memory_space<hbm>> -> memref<256xi32, #tpu.memory_space<hbm>>
        %dma_wait3A_267 = tpu.memref_slice %arg2[%select_n3A_245, %add3A_264] : memref<200x16384xi32, #tpu.memory_space<hbm>> -> memref<1x256xi32, #tpu.memory_space<hbm>>
        %dma_wait3A_268 = tpu.memref_squeeze %dma_wait3A_267 : memref<1x256xi32, #tpu.memory_space<hbm>> -> memref<256xi32, #tpu.memory_space<hbm>>
        tpu.wait_dma2 semaphore(%arg12 : memref<!tpu.dma_semaphore, #tpu.memory_space<semaphore_mem>>) src(%dma_wait3A_268 : memref<256xi32, #tpu.memory_space<hbm>>) dst(%arg6 : memref<256xi32, #tpu.memory_space<vmem>>)
        %dma_start3A_269 = arith.constant 0 : i32
        %dma_start3A_270 = arith.constant 0 : i32
        %dma_start3A_271 = tpu.memref_slice %arg3[%dma_start3A_269, %dma_start3A_270] : memref<1000000x64xf32, #tpu.memory_space<hbm>> -> memref<1000000x64xf32, #tpu.memory_space<hbm>>
        tpu.enqueue_indirect_dma source(%dma_start3A_271 : memref<1000000x64xf32, #tpu.memory_space<hbm>>) target(%arg8 : memref<256x64xf32, #tpu.memory_space<vmem>>) offsets(%arg6 : memref<256xi32, #tpu.memory_space<vmem>>) semaphore(%arg14 : memref<!tpu.dma_semaphore, #tpu.memory_space<semaphore_mem>>)
      } else {
      }
      %add3A_72 = arith.constant 2 : i32
      %add3A_73 = arith.addi %add3A_64, %add3A_72 : i32
      %lt3A_74 = arith.constant 400 : i32
      %lt3A_75 = arith.cmpi slt, %add3A_73, %lt3A_74 : i32
      %convert_element_type3A_76 = arith.extui %lt3A_75 : i1 to i32
      %cond3A_77 = arith.constant 0 : i32
      %cond3A_78 = arith.cmpi ne, %convert_element_type3A_76, %cond3A_77 : i32
      scf.if %cond3A_78 {
        %add3A_220 = arith.constant 2 : i32
        %add3A_221 = arith.addi %add3A_64, %add3A_220 : i32
        %jit3A_222 = arith.constant 2 : i32
        %div3A_223 = arith.divsi %add3A_221, %jit3A_222 : i32
        %sign3A_224 = arith.constant 0 : i32
        %sign3A_225 = arith.cmpi sgt, %add3A_221, %sign3A_224 : i32
        %sign3A_226 = arith.extui %sign3A_225 : i1 to i32
        %sign3A_227 = arith.constant 0 : i32
        %sign3A_228 = arith.cmpi slt, %add3A_221, %sign3A_227 : i32
        %sign3A_229 = arith.extui %sign3A_228 : i1 to i32
        %sign3A_230 = arith.subi %sign3A_226, %sign3A_229 : i32
        %sign3A_231 = arith.constant 0 : i32
        %sign3A_232 = arith.cmpi sgt, %jit3A_222, %sign3A_231 : i32
        %sign3A_233 = arith.extui %sign3A_232 : i1 to i32
        %sign3A_234 = arith.constant 0 : i32
        %sign3A_235 = arith.cmpi slt, %jit3A_222, %sign3A_234 : i32
        %sign3A_236 = arith.extui %sign3A_235 : i1 to i32
        %sign3A_237 = arith.subi %sign3A_233, %sign3A_236 : i32
        %ne3A_238 = arith.cmpi ne, %sign3A_230, %sign3A_237 : i32
        %rem3A_239 = arith.remsi %add3A_221, %jit3A_222 : i32
        %ne3A_240 = arith.constant 0 : i32
        %ne3A_241 = arith.cmpi ne, %rem3A_239, %ne3A_240 : i32
        %and3A_242 = arith.andi %ne3A_238, %ne3A_241 : i1
        %sub3A_243 = arith.constant 1 : i32
        %sub3A_244 = arith.subi %div3A_223, %sub3A_243 : i32
        %select_n3A_245 = arith.select %and3A_242, %sub3A_244, %div3A_223 : i32
        %jit3A_246 = arith.constant 2 : i32
        %eq3A_247 = arith.constant 0 : i32
        %eq3A_248 = arith.cmpi eq, %jit3A_246, %eq3A_247 : i32
        %jit3A_249 = arith.constant 1 : i32
        %select_n3A_250 = arith.select %eq3A_248, %jit3A_249, %jit3A_246 : i32
        %rem3A_251 = arith.remsi %add3A_221, %select_n3A_250 : i32
        %ne3A_252 = arith.constant 0 : i32
        %ne3A_253 = arith.cmpi ne, %rem3A_251, %ne3A_252 : i32
        %lt3A_254 = arith.constant 0 : i32
        %lt3A_255 = arith.cmpi slt, %rem3A_251, %lt3A_254 : i32
        %lt3A_256 = arith.constant 0 : i32
        %lt3A_257 = arith.cmpi slt, %select_n3A_250, %lt3A_256 : i32
        %ne3A_258 = arith.xori %lt3A_255, %lt3A_257 : i1
        %and3A_259 = arith.andi %ne3A_258, %ne3A_253 : i1
        %add3A_260 = arith.addi %rem3A_251, %select_n3A_250 : i32
        %select_n3A_261 = arith.select %and3A_259, %add3A_260, %rem3A_251 : i32
        %mul3A_262 = arith.constant 256 : i32
        %mul3A_263 = arith.muli %select_n3A_261, %mul3A_262 : i32
        %add3A_264 = arith.addi %mul3A_2, %mul3A_263 : i32
        %dma_start3A_265 = tpu.memref_slice %arg2[%select_n3A_245, %add3A_264] : memref<200x16384xi32, #tpu.memory_space<hbm>> -> memref<1x256xi32, #tpu.memory_space<hbm>>
        %dma_start3A_266 = tpu.memref_squeeze %dma_start3A_265 : memref<1x256xi32, #tpu.memory_space<hbm>> -> memref<256xi32, #tpu.memory_space<hbm>>
        %dma_start3A_267 = tpu.memref_slice %arg2[%select_n3A_245, %add3A_264] : memref<200x16384xi32, #tpu.memory_space<hbm>> -> memref<1x256xi32, #tpu.memory_space<hbm>>
        %dma_start3A_268 = tpu.memref_squeeze %dma_start3A_267 : memref<1x256xi32, #tpu.memory_space<hbm>> -> memref<256xi32, #tpu.memory_space<hbm>>
        tpu.enqueue_dma source(%dma_start3A_268 : memref<256xi32, #tpu.memory_space<hbm>>) target(%arg5 : memref<256xi32, #tpu.memory_space<vmem>>) target_semaphore(%arg11 : memref<!tpu.dma_semaphore, #tpu.memory_space<semaphore_mem>>)
      } else {
      }
      %ge3A = arith.constant 2 : i32
      %ge3A_79 = arith.cmpi sge, %add3A_64, %ge3A : i32
      %convert_element_type3A_80 = arith.extui %ge3A_79 : i1 to i32
      %cond3A_81 = arith.constant 0 : i32
      %cond3A_82 = arith.cmpi ne, %convert_element_type3A_80, %cond3A_81 : i32
      scf.if %cond3A_82 {
        %jit3A_220 = arith.constant 2 : i32
        %div3A_221 = arith.divsi %add3A_64, %jit3A_220 : i32
        %sign3A_222 = arith.constant 0 : i32
        %sign3A_223 = arith.cmpi sgt, %add3A_64, %sign3A_222 : i32
        %sign3A_224 = arith.extui %sign3A_223 : i1 to i32
        %sign3A_225 = arith.constant 0 : i32
        %sign3A_226 = arith.cmpi slt, %add3A_64, %sign3A_225 : i32
        %sign3A_227 = arith.extui %sign3A_226 : i1 to i32
        %sign3A_228 = arith.subi %sign3A_224, %sign3A_227 : i32
        %sign3A_229 = arith.constant 0 : i32
        %sign3A_230 = arith.cmpi sgt, %jit3A_220, %sign3A_229 : i32
        %sign3A_231 = arith.extui %sign3A_230 : i1 to i32
        %sign3A_232 = arith.constant 0 : i32
        %sign3A_233 = arith.cmpi slt, %jit3A_220, %sign3A_232 : i32
        %sign3A_234 = arith.extui %sign3A_233 : i1 to i32
        %sign3A_235 = arith.subi %sign3A_231, %sign3A_234 : i32
        %ne3A_236 = arith.cmpi ne, %sign3A_228, %sign3A_235 : i32
        %rem3A_237 = arith.remsi %add3A_64, %jit3A_220 : i32
        %ne3A_238 = arith.constant 0 : i32
        %ne3A_239 = arith.cmpi ne, %rem3A_237, %ne3A_238 : i32
        %and3A_240 = arith.andi %ne3A_236, %ne3A_239 : i1
        %sub3A_241 = arith.constant 1 : i32
        %sub3A_242 = arith.subi %div3A_221, %sub3A_241 : i32
        %select_n3A_243 = arith.select %and3A_240, %sub3A_242, %div3A_221 : i32
        %jit3A_244 = arith.constant 2 : i32
        %eq3A_245 = arith.constant 0 : i32
        %eq3A_246 = arith.cmpi eq, %jit3A_244, %eq3A_245 : i32
        %jit3A_247 = arith.constant 1 : i32
        %select_n3A_248 = arith.select %eq3A_246, %jit3A_247, %jit3A_244 : i32
        %rem3A_249 = arith.remsi %add3A_64, %select_n3A_248 : i32
        %ne3A_250 = arith.constant 0 : i32
        %ne3A_251 = arith.cmpi ne, %rem3A_249, %ne3A_250 : i32
        %lt3A_252 = arith.constant 0 : i32
        %lt3A_253 = arith.cmpi slt, %rem3A_249, %lt3A_252 : i32
        %lt3A_254 = arith.constant 0 : i32
        %lt3A_255 = arith.cmpi slt, %select_n3A_248, %lt3A_254 : i32
        %ne3A_256 = arith.xori %lt3A_253, %lt3A_255 : i1
        %and3A_257 = arith.andi %ne3A_256, %ne3A_251 : i1
        %add3A_258 = arith.addi %rem3A_249, %select_n3A_248 : i32
        %select_n3A_259 = arith.select %and3A_257, %add3A_258, %rem3A_249 : i32
        %mul3A_260 = arith.constant 256 : i32
        %mul3A_261 = arith.muli %select_n3A_259, %mul3A_260 : i32
        %add3A_262 = arith.addi %mul3A_2, %mul3A_261 : i32
        %dma_wait3A_263 = arith.constant 0 : i32
        %dma_wait3A_264 = arith.constant 0 : i32
        %dma_wait3A_265 = tpu.memref_slice %arg9[%dma_wait3A_263, %dma_wait3A_264] : memref<64x257xf32, #tpu.memory_space<vmem>> -> memref<64x256xf32, #tpu.memory_space<vmem>>
        %dma_wait3A_266 = arith.constant 0 : i32
        %dma_wait3A_267 = tpu.memref_slice %arg4[%select_n3A_243, %dma_wait3A_266, %add3A_262] : memref<200x64x16384xf32, #tpu.memory_space<hbm>> -> memref<1x64x256xf32, #tpu.memory_space<hbm>>
        %dma_wait3A_268 = tpu.memref_squeeze %dma_wait3A_267 : memref<1x64x256xf32, #tpu.memory_space<hbm>> -> memref<64x256xf32, #tpu.memory_space<hbm>>
        %dma_wait3A_269 = arith.constant 0 : i32
        %dma_wait3A_270 = tpu.memref_slice %arg4[%select_n3A_243, %dma_wait3A_269, %add3A_262] : memref<200x64x16384xf32, #tpu.memory_space<hbm>> -> memref<1x64x256xf32, #tpu.memory_space<hbm>>
        %dma_wait3A_271 = tpu.memref_squeeze %dma_wait3A_270 : memref<1x64x256xf32, #tpu.memory_space<hbm>> -> memref<64x256xf32, #tpu.memory_space<hbm>>
        %dma_wait3A_272 = arith.constant 0 : i32
        %dma_wait3A_273 = arith.constant 0 : i32
        %dma_wait3A_274 = tpu.memref_slice %arg9[%dma_wait3A_272, %dma_wait3A_273] : memref<64x257xf32, #tpu.memory_space<vmem>> -> memref<64x256xf32, #tpu.memory_space<vmem>>
        tpu.wait_dma2 semaphore(%arg15 : memref<!tpu.dma_semaphore, #tpu.memory_space<semaphore_mem>>) src(%dma_wait3A_274 : memref<64x256xf32, #tpu.memory_space<vmem>>) dst(%dma_wait3A_271 : memref<64x256xf32, #tpu.memory_space<hbm>>)
      } else {
      }
      %scan3A_83 = arith.constant 0 : i32
      %scan3A_84 = arith.constant 0 : i32
      %scan3A_85 = arith.constant 32 : i32
      %scan3A_86 = arith.addi %scan3A_84, %scan3A_85 : i32
      %scan3A_87 = arith.constant 1 : i32
      scf.for %scan3A_220 = %scan3A_84 to %scan3A_86 step %scan3A_87  : i32 {
        %mul3A_221 = arith.constant 8 : i32
        %mul3A_222 = arith.muli %scan3A_220, %mul3A_221 : i32
        %add3A_223 = arith.constant 0 : i32
        %add3A_224 = arith.addi %mul3A_222, %add3A_223 : i32
        %get3A = arith.index_cast %add3A_224 : i32 to index
        %get3A_225 = arith.constant 0 : index
        %get3A_226 = tpu.vector_load %arg7[%get3A, %get3A_225] {strides = array<i32>} : memref<256x64xf32, #tpu.memory_space<vmem>>, vector<16xf32>,
        %get3A_227 = arith.index_cast %add3A_224 : i32 to index
        %get3A_228 = arith.constant 16 : index
        %get3A_229 = tpu.vector_load %arg7[%get3A_227, %get3A_228] {strides = array<i32>} : memref<256x64xf32, #tpu.memory_space<vmem>>, vector<16xf32>,
        %get3A_230 = arith.index_cast %add3A_224 : i32 to index
        %get3A_231 = arith.constant 32 : index
        %get3A_232 = tpu.vector_load %arg7[%get3A_230, %get3A_231] {strides = array<i32>} : memref<256x64xf32, #tpu.memory_space<vmem>>, vector<16xf32>,
        %get3A_233 = arith.index_cast %add3A_224 : i32 to index
        %get3A_234 = arith.constant 48 : index
        %get3A_235 = tpu.vector_load %arg7[%get3A_233, %get3A_234] {strides = array<i32>} : memref<256x64xf32, #tpu.memory_space<vmem>>, vector<16xf32>,
        %mul3A_236 = arith.constant 8 : i32
        %mul3A_237 = arith.muli %scan3A_220, %mul3A_236 : i32
        %add3A_238 = arith.constant 1 : i32
        %add3A_239 = arith.addi %mul3A_237, %add3A_238 : i32
        %get3A_240 = arith.index_cast %add3A_239 : i32 to index
        %get3A_241 = arith.constant 0 : index
        %get3A_242 = tpu.vector_load %arg7[%get3A_240, %get3A_241] {strides = array<i32>} : memref<256x64xf32, #tpu.memory_space<vmem>>, vector<16xf32>,
        %get3A_243 = arith.index_cast %add3A_239 : i32 to index
        %get3A_244 = arith.constant 16 : index
        %get3A_245 = tpu.vector_load %arg7[%get3A_243, %get3A_244] {strides = array<i32>} : memref<256x64xf32, #tpu.memory_space<vmem>>, vector<16xf32>,
        %get3A_246 = arith.index_cast %add3A_239 : i32 to index
        %get3A_247 = arith.constant 32 : index
        %get3A_248 = tpu.vector_load %arg7[%get3A_246, %get3A_247] {strides = array<i32>} : memref<256x64xf32, #tpu.memory_space<vmem>>, vector<16xf32>,
        %get3A_249 = arith.index_cast %add3A_239 : i32 to index
        %get3A_250 = arith.constant 48 : index
        %get3A_251 = tpu.vector_load %arg7[%get3A_249, %get3A_250] {strides = array<i32>} : memref<256x64xf32, #tpu.memory_space<vmem>>, vector<16xf32>,
        %mul3A_252 = arith.constant 8 : i32
        %mul3A_253 = arith.muli %scan3A_220, %mul3A_252 : i32
        %add3A_254 = arith.constant 2 : i32
        %add3A_255 = arith.addi %mul3A_253, %add3A_254 : i32
        %get3A_256 = arith.index_cast %add3A_255 : i32 to index
        %get3A_257 = arith.constant 0 : index
        %get3A_258 = tpu.vector_load %arg7[%get3A_256, %get3A_257] {strides = array<i32>} : memref<256x64xf32, #tpu.memory_space<vmem>>, vector<16xf32>,
        %get3A_259 = arith.index_cast %add3A_255 : i32 to index
        %get3A_260 = arith.constant 16 : index
        %get3A_261 = tpu.vector_load %arg7[%get3A_259, %get3A_260] {strides = array<i32>} : memref<256x64xf32, #tpu.memory_space<vmem>>, vector<16xf32>,
        %get3A_262 = arith.index_cast %add3A_255 : i32 to index
        %get3A_263 = arith.constant 32 : index
        %get3A_264 = tpu.vector_load %arg7[%get3A_262, %get3A_263] {strides = array<i32>} : memref<256x64xf32, #tpu.memory_space<vmem>>, vector<16xf32>,
        %get3A_265 = arith.index_cast %add3A_255 : i32 to index
        %get3A_266 = arith.constant 48 : index
        %get3A_267 = tpu.vector_load %arg7[%get3A_265, %get3A_266] {strides = array<i32>} : memref<256x64xf32, #tpu.memory_space<vmem>>, vector<16xf32>,
        %mul3A_268 = arith.constant 8 : i32
        %mul3A_269 = arith.muli %scan3A_220, %mul3A_268 : i32
        %add3A_270 = arith.constant 3 : i32
        %add3A_271 = arith.addi %mul3A_269, %add3A_270 : i32
        %get3A_272 = arith.index_cast %add3A_271 : i32 to index
        %get3A_273 = arith.constant 0 : index
        %get3A_274 = tpu.vector_load %arg7[%get3A_272, %get3A_273] {strides = array<i32>} : memref<256x64xf32, #tpu.memory_space<vmem>>, vector<16xf32>,
        %get3A_275 = arith.index_cast %add3A_271 : i32 to index
        %get3A_276 = arith.constant 16 : index
        %get3A_277 = tpu.vector_load %arg7[%get3A_275, %get3A_276] {strides = array<i32>} : memref<256x64xf32, #tpu.memory_space<vmem>>, vector<16xf32>,
        %get3A_278 = arith.index_cast %add3A_271 : i32 to index
        %get3A_279 = arith.constant 32 : index
        %get3A_280 = tpu.vector_load %arg7[%get3A_278, %get3A_279] {strides = array<i32>} : memref<256x64xf32, #tpu.memory_space<vmem>>, vector<16xf32>,
        %get3A_281 = arith.index_cast %add3A_271 : i32 to index
        %get3A_282 = arith.constant 48 : index
        %get3A_283 = tpu.vector_load %arg7[%get3A_281, %get3A_282] {strides = array<i32>} : memref<256x64xf32, #tpu.memory_space<vmem>>, vector<16xf32>,
        %mul3A_284 = arith.constant 8 : i32
        %mul3A_285 = arith.muli %scan3A_220, %mul3A_284 : i32
        %add3A_286 = arith.constant 4 : i32
        %add3A_287 = arith.addi %mul3A_285, %add3A_286 : i32
        %get3A_288 = arith.index_cast %add3A_287 : i32 to index
        %get3A_289 = arith.constant 0 : index
        %get3A_290 = tpu.vector_load %arg7[%get3A_288, %get3A_289] {strides = array<i32>} : memref<256x64xf32, #tpu.memory_space<vmem>>, vector<16xf32>,
        %get3A_291 = arith.index_cast %add3A_287 : i32 to index
        %get3A_292 = arith.constant 16 : index
        %get3A_293 = tpu.vector_load %arg7[%get3A_291, %get3A_292] {strides = array<i32>} : memref<256x64xf32, #tpu.memory_space<vmem>>, vector<16xf32>,
        %get3A_294 = arith.index_cast %add3A_287 : i32 to index
        %get3A_295 = arith.constant 32 : index
        %get3A_296 = tpu.vector_load %arg7[%get3A_294, %get3A_295] {strides = array<i32>} : memref<256x64xf32, #tpu.memory_space<vmem>>, vector<16xf32>,
        %get3A_297 = arith.index_cast %add3A_287 : i32 to index
        %get3A_298 = arith.constant 48 : index
        %get3A_299 = tpu.vector_load %arg7[%get3A_297, %get3A_298] {strides = array<i32>} : memref<256x64xf32, #tpu.memory_space<vmem>>, vector<16xf32>,
        %mul3A_300 = arith.constant 8 : i32
        %mul3A_301 = arith.muli %scan3A_220, %mul3A_300 : i32
        %add3A_302 = arith.constant 5 : i32
        %add3A_303 = arith.addi %mul3A_301, %add3A_302 : i32
        %get3A_304 = arith.index_cast %add3A_303 : i32 to index
        %get3A_305 = arith.constant 0 : index
        %get3A_306 = tpu.vector_load %arg7[%get3A_304, %get3A_305] {strides = array<i32>} : memref<256x64xf32, #tpu.memory_space<vmem>>, vector<16xf32>,
        %get3A_307 = arith.index_cast %add3A_303 : i32 to index
        %get3A_308 = arith.constant 16 : index
        %get3A_309 = tpu.vector_load %arg7[%get3A_307, %get3A_308] {strides = array<i32>} : memref<256x64xf32, #tpu.memory_space<vmem>>, vector<16xf32>,
        %get3A_310 = arith.index_cast %add3A_303 : i32 to index
        %get3A_311 = arith.constant 32 : index
        %get3A_312 = tpu.vector_load %arg7[%get3A_310, %get3A_311] {strides = array<i32>} : memref<256x64xf32, #tpu.memory_space<vmem>>, vector<16xf32>,
        %get3A_313 = arith.index_cast %add3A_303 : i32 to index
        %get3A_314 = arith.constant 48 : index
        %get3A_315 = tpu.vector_load %arg7[%get3A_313, %get3A_314] {strides = array<i32>} : memref<256x64xf32, #tpu.memory_space<vmem>>, vector<16xf32>,
        %mul3A_316 = arith.constant 8 : i32
        %mul3A_317 = arith.muli %scan3A_220, %mul3A_316 : i32
        %add3A_318 = arith.constant 6 : i32
        %add3A_319 = arith.addi %mul3A_317, %add3A_318 : i32
        %get3A_320 = arith.index_cast %add3A_319 : i32 to index
        %get3A_321 = arith.constant 0 : index
        %get3A_322 = tpu.vector_load %arg7[%get3A_320, %get3A_321] {strides = array<i32>} : memref<256x64xf32, #tpu.memory_space<vmem>>, vector<16xf32>,
        %get3A_323 = arith.index_cast %add3A_319 : i32 to index
        %get3A_324 = arith.constant 16 : index
        %get3A_325 = tpu.vector_load %arg7[%get3A_323, %get3A_324] {strides = array<i32>} : memref<256x64xf32, #tpu.memory_space<vmem>>, vector<16xf32>,
        %get3A_326 = arith.index_cast %add3A_319 : i32 to index
        %get3A_327 = arith.constant 32 : index
        %get3A_328 = tpu.vector_load %arg7[%get3A_326, %get3A_327] {strides = array<i32>} : memref<256x64xf32, #tpu.memory_space<vmem>>, vector<16xf32>,
        %get3A_329 = arith.index_cast %add3A_319 : i32 to index
        %get3A_330 = arith.constant 48 : index
        %get3A_331 = tpu.vector_load %arg7[%get3A_329, %get3A_330] {strides = array<i32>} : memref<256x64xf32, #tpu.memory_space<vmem>>, vector<16xf32>,
        %mul3A_332 = arith.constant 8 : i32
        %mul3A_333 = arith.muli %scan3A_220, %mul3A_332 : i32
        %add3A_334 = arith.constant 7 : i32
        %add3A_335 = arith.addi %mul3A_333, %add3A_334 : i32
        %get3A_336 = arith.index_cast %add3A_335 : i32 to index
        %get3A_337 = arith.constant 0 : index
        %get3A_338 = tpu.vector_load %arg7[%get3A_336, %get3A_337] {strides = array<i32>} : memref<256x64xf32, #tpu.memory_space<vmem>>, vector<16xf32>,
        %get3A_339 = arith.index_cast %add3A_335 : i32 to index
        %get3A_340 = arith.constant 16 : index
        %get3A_341 = tpu.vector_load %arg7[%get3A_339, %get3A_340] {strides = array<i32>} : memref<256x64xf32, #tpu.memory_space<vmem>>, vector<16xf32>,
        %get3A_342 = arith.index_cast %add3A_335 : i32 to index
        %get3A_343 = arith.constant 32 : index
        %get3A_344 = tpu.vector_load %arg7[%get3A_342, %get3A_343] {strides = array<i32>} : memref<256x64xf32, #tpu.memory_space<vmem>>, vector<16xf32>,
        %get3A_345 = arith.index_cast %add3A_335 : i32 to index
        %get3A_346 = arith.constant 48 : index
        %get3A_347 = tpu.vector_load %arg7[%get3A_345, %get3A_346] {strides = array<i32>} : memref<256x64xf32, #tpu.memory_space<vmem>>, vector<16xf32>,
        %mul3A_348 = arith.constant 8 : i32
        %mul3A_349 = arith.muli %scan3A_220, %mul3A_348 : i32
        %add3A_350 = arith.constant 0 : i32
        %add3A_351 = arith.addi %mul3A_349, %add3A_350 : i32
        %mul3A_352 = arith.constant 0 : i32
        %mul3A_353 = vector.broadcast %mul3A_352 : i32 to vector<16xi32>
        %mul3A_354 = arith.muli %iota3A, %mul3A_353 : vector<16xi32>
        %add3A_355 = vector.broadcast %add3A_351 : i32 to vector<16xi32>
        %add3A_356 = arith.addi %mul3A_354, %add3A_355 : vector<16xi32>
        %add3A_357 = arith.constant 0 : i32
        %add3A_358 = vector.broadcast %add3A_357 : i32 to vector<16xi32>
        %add3A_359 = arith.addi %iota3A, %add3A_358 : vector<16xi32>
        tpu.vector_store_idx %arg9[%add3A_359, %add3A_356], %get3A_226 : memref<64x257xf32, #tpu.memory_space<vmem>>[vector<16xi32>, vector<16xi32>], vector<16xf32>,
        %add3A_360 = arith.constant 16 : i32
        %add3A_361 = vector.broadcast %add3A_360 : i32 to vector<16xi32>
        %add3A_362 = arith.addi %iota3A, %add3A_361 : vector<16xi32>
        tpu.vector_store_idx %arg9[%add3A_362, %add3A_356], %get3A_229 : memref<64x257xf32, #tpu.memory_space<vmem>>[vector<16xi32>, vector<16xi32>], vector<16xf32>,
        %add3A_363 = arith.constant 32 : i32
        %add3A_364 = vector.broadcast %add3A_363 : i32 to vector<16xi32>
        %add3A_365 = arith.addi %iota3A, %add3A_364 : vector<16xi32>
        tpu.vector_store_idx %arg9[%add3A_365, %add3A_356], %get3A_232 : memref<64x257xf32, #tpu.memory_space<vmem>>[vector<16xi32>, vector<16xi32>], vector<16xf32>,
        %add3A_366 = arith.constant 48 : i32
        %add3A_367 = vector.broadcast %add3A_366 : i32 to vector<16xi32>
        %add3A_368 = arith.addi %iota3A, %add3A_367 : vector<16xi32>
        tpu.vector_store_idx %arg9[%add3A_368, %add3A_356], %get3A_235 : memref<64x257xf32, #tpu.memory_space<vmem>>[vector<16xi32>, vector<16xi32>], vector<16xf32>,
        %mul3A_369 = arith.constant 8 : i32
        %mul3A_370 = arith.muli %scan3A_220, %mul3A_369 : i32
        %add3A_371 = arith.constant 1 : i32
        %add3A_372 = arith.addi %mul3A_370, %add3A_371 : i32
        %mul3A_373 = arith.constant 0 : i32
        %mul3A_374 = vector.broadcast %mul3A_373 : i32 to vector<16xi32>
        %mul3A_375 = arith.muli %iota3A, %mul3A_374 : vector<16xi32>
        %add3A_376 = vector.broadcast %add3A_372 : i32 to vector<16xi32>
        %add3A_377 = arith.addi %mul3A_375, %add3A_376 : vector<16xi32>
        %add3A_378 = arith.constant 0 : i32
        %add3A_379 = vector.broadcast %add3A_378 : i32 to vector<16xi32>
        %add3A_380 = arith.addi %iota3A, %add3A_379 : vector<16xi32>
        tpu.vector_store_idx %arg9[%add3A_380, %add3A_377], %get3A_242 : memref<64x257xf32, #tpu.memory_space<vmem>>[vector<16xi32>, vector<16xi32>], vector<16xf32>,
        %add3A_381 = arith.constant 16 : i32
        %add3A_382 = vector.broadcast %add3A_381 : i32 to vector<16xi32>
        %add3A_383 = arith.addi %iota3A, %add3A_382 : vector<16xi32>
        tpu.vector_store_idx %arg9[%add3A_383, %add3A_377], %get3A_245 : memref<64x257xf32, #tpu.memory_space<vmem>>[vector<16xi32>, vector<16xi32>], vector<16xf32>,
        %add3A_384 = arith.constant 32 : i32
        %add3A_385 = vector.broadcast %add3A_384 : i32 to vector<16xi32>
        %add3A_386 = arith.addi %iota3A, %add3A_385 : vector<16xi32>
        tpu.vector_store_idx %arg9[%add3A_386, %add3A_377], %get3A_248 : memref<64x257xf32, #tpu.memory_space<vmem>>[vector<16xi32>, vector<16xi32>], vector<16xf32>,
        %add3A_387 = arith.constant 48 : i32
        %add3A_388 = vector.broadcast %add3A_387 : i32 to vector<16xi32>
        %add3A_389 = arith.addi %iota3A, %add3A_388 : vector<16xi32>
        tpu.vector_store_idx %arg9[%add3A_389, %add3A_377], %get3A_251 : memref<64x257xf32, #tpu.memory_space<vmem>>[vector<16xi32>, vector<16xi32>], vector<16xf32>,
        %mul3A_390 = arith.constant 8 : i32
        %mul3A_391 = arith.muli %scan3A_220, %mul3A_390 : i32
        %add3A_392 = arith.constant 2 : i32
        %add3A_393 = arith.addi %mul3A_391, %add3A_392 : i32
        %mul3A_394 = arith.constant 0 : i32
        %mul3A_395 = vector.broadcast %mul3A_394 : i32 to vector<16xi32>
        %mul3A_396 = arith.muli %iota3A, %mul3A_395 : vector<16xi32>
        %add3A_397 = vector.broadcast %add3A_393 : i32 to vector<16xi32>
        %add3A_398 = arith.addi %mul3A_396, %add3A_397 : vector<16xi32>
        %add3A_399 = arith.constant 0 : i32
        %add3A_400 = vector.broadcast %add3A_399 : i32 to vector<16xi32>
        %add3A_401 = arith.addi %iota3A, %add3A_400 : vector<16xi32>
        tpu.vector_store_idx %arg9[%add3A_401, %add3A_398], %get3A_258 : memref<64x257xf32, #tpu.memory_space<vmem>>[vector<16xi32>, vector<16xi32>], vector<16xf32>,
        %add3A_402 = arith.constant 16 : i32
        %add3A_403 = vector.broadcast %add3A_402 : i32 to vector<16xi32>
        %add3A_404 = arith.addi %iota3A, %add3A_403 : vector<16xi32>
        tpu.vector_store_idx %arg9[%add3A_404, %add3A_398], %get3A_261 : memref<64x257xf32, #tpu.memory_space<vmem>>[vector<16xi32>, vector<16xi32>], vector<16xf32>,
        %add3A_405 = arith.constant 32 : i32
        %add3A_406 = vector.broadcast %add3A_405 : i32 to vector<16xi32>
        %add3A_407 = arith.addi %iota3A, %add3A_406 : vector<16xi32>
        tpu.vector_store_idx %arg9[%add3A_407, %add3A_398], %get3A_264 : memref<64x257xf32, #tpu.memory_space<vmem>>[vector<16xi32>, vector<16xi32>], vector<16xf32>,
        %add3A_408 = arith.constant 48 : i32
        %add3A_409 = vector.broadcast %add3A_408 : i32 to vector<16xi32>
        %add3A_410 = arith.addi %iota3A, %add3A_409 : vector<16xi32>
        tpu.vector_store_idx %arg9[%add3A_410, %add3A_398], %get3A_267 : memref<64x257xf32, #tpu.memory_space<vmem>>[vector<16xi32>, vector<16xi32>], vector<16xf32>,
        %mul3A_411 = arith.constant 8 : i32
        %mul3A_412 = arith.muli %scan3A_220, %mul3A_411 : i32
        %add3A_413 = arith.constant 3 : i32
        %add3A_414 = arith.addi %mul3A_412, %add3A_413 : i32
        %mul3A_415 = arith.constant 0 : i32
        %mul3A_416 = vector.broadcast %mul3A_415 : i32 to vector<16xi32>
        %mul3A_417 = arith.muli %iota3A, %mul3A_416 : vector<16xi32>
        %add3A_418 = vector.broadcast %add3A_414 : i32 to vector<16xi32>
        %add3A_419 = arith.addi %mul3A_417, %add3A_418 : vector<16xi32>
        %add3A_420 = arith.constant 0 : i32
        %add3A_421 = vector.broadcast %add3A_420 : i32 to vector<16xi32>
        %add3A_422 = arith.addi %iota3A, %add3A_421 : vector<16xi32>
        tpu.vector_store_idx %arg9[%add3A_422, %add3A_419], %get3A_274 : memref<64x257xf32, #tpu.memory_space<vmem>>[vector<16xi32>, vector<16xi32>], vector<16xf32>,
        %add3A_423 = arith.constant 16 : i32
        %add3A_424 = vector.broadcast %add3A_423 : i32 to vector<16xi32>
        %add3A_425 = arith.addi %iota3A, %add3A_424 : vector<16xi32>
        tpu.vector_store_idx %arg9[%add3A_425, %add3A_419], %get3A_277 : memref<64x257xf32, #tpu.memory_space<vmem>>[vector<16xi32>, vector<16xi32>], vector<16xf32>,
        %add3A_426 = arith.constant 32 : i32
        %add3A_427 = vector.broadcast %add3A_426 : i32 to vector<16xi32>
        %add3A_428 = arith.addi %iota3A, %add3A_427 : vector<16xi32>
        tpu.vector_store_idx %arg9[%add3A_428, %add3A_419], %get3A_280 : memref<64x257xf32, #tpu.memory_space<vmem>>[vector<16xi32>, vector<16xi32>], vector<16xf32>,
        %add3A_429 = arith.constant 48 : i32
        %add3A_430 = vector.broadcast %add3A_429 : i32 to vector<16xi32>
        %add3A_431 = arith.addi %iota3A, %add3A_430 : vector<16xi32>
        tpu.vector_store_idx %arg9[%add3A_431, %add3A_419], %get3A_283 : memref<64x257xf32, #tpu.memory_space<vmem>>[vector<16xi32>, vector<16xi32>], vector<16xf32>,
        %mul3A_432 = arith.constant 8 : i32
        %mul3A_433 = arith.muli %scan3A_220, %mul3A_432 : i32
        %add3A_434 = arith.constant 4 : i32
        %add3A_435 = arith.addi %mul3A_433, %add3A_434 : i32
        %mul3A_436 = arith.constant 0 : i32
        %mul3A_437 = vector.broadcast %mul3A_436 : i32 to vector<16xi32>
        %mul3A_438 = arith.muli %iota3A, %mul3A_437 : vector<16xi32>
        %add3A_439 = vector.broadcast %add3A_435 : i32 to vector<16xi32>
        %add3A_440 = arith.addi %mul3A_438, %add3A_439 : vector<16xi32>
        %add3A_441 = arith.constant 0 : i32
        %add3A_442 = vector.broadcast %add3A_441 : i32 to vector<16xi32>
        %add3A_443 = arith.addi %iota3A, %add3A_442 : vector<16xi32>
        tpu.vector_store_idx %arg9[%add3A_443, %add3A_440], %get3A_290 : memref<64x257xf32, #tpu.memory_space<vmem>>[vector<16xi32>, vector<16xi32>], vector<16xf32>,
        %add3A_444 = arith.constant 16 : i32
        %add3A_445 = vector.broadcast %add3A_444 : i32 to vector<16xi32>
        %add3A_446 = arith.addi %iota3A, %add3A_445 : vector<16xi32>
        tpu.vector_store_idx %arg9[%add3A_446, %add3A_440], %get3A_293 : memref<64x257xf32, #tpu.memory_space<vmem>>[vector<16xi32>, vector<16xi32>], vector<16xf32>,
        %add3A_447 = arith.constant 32 : i32
        %add3A_448 = vector.broadcast %add3A_447 : i32 to vector<16xi32>
        %add3A_449 = arith.addi %iota3A, %add3A_448 : vector<16xi32>
        tpu.vector_store_idx %arg9[%add3A_449, %add3A_440], %get3A_296 : memref<64x257xf32, #tpu.memory_space<vmem>>[vector<16xi32>, vector<16xi32>], vector<16xf32>,
        %add3A_450 = arith.constant 48 : i32
        %add3A_451 = vector.broadcast %add3A_450 : i32 to vector<16xi32>
        %add3A_452 = arith.addi %iota3A, %add3A_451 : vector<16xi32>
        tpu.vector_store_idx %arg9[%add3A_452, %add3A_440], %get3A_299 : memref<64x257xf32, #tpu.memory_space<vmem>>[vector<16xi32>, vector<16xi32>], vector<16xf32>,
        %mul3A_453 = arith.constant 8 : i32
        %mul3A_454 = arith.muli %scan3A_220, %mul3A_453 : i32
        %add3A_455 = arith.constant 5 : i32
        %add3A_456 = arith.addi %mul3A_454, %add3A_455 : i32
        %mul3A_457 = arith.constant 0 : i32
        %mul3A_458 = vector.broadcast %mul3A_457 : i32 to vector<16xi32>
        %mul3A_459 = arith.muli %iota3A, %mul3A_458 : vector<16xi32>
        %add3A_460 = vector.broadcast %add3A_456 : i32 to vector<16xi32>
        %add3A_461 = arith.addi %mul3A_459, %add3A_460 : vector<16xi32>
        %add3A_462 = arith.constant 0 : i32
        %add3A_463 = vector.broadcast %add3A_462 : i32 to vector<16xi32>
        %add3A_464 = arith.addi %iota3A, %add3A_463 : vector<16xi32>
        tpu.vector_store_idx %arg9[%add3A_464, %add3A_461], %get3A_306 : memref<64x257xf32, #tpu.memory_space<vmem>>[vector<16xi32>, vector<16xi32>], vector<16xf32>,
        %add3A_465 = arith.constant 16 : i32
        %add3A_466 = vector.broadcast %add3A_465 : i32 to vector<16xi32>
        %add3A_467 = arith.addi %iota3A, %add3A_466 : vector<16xi32>
        tpu.vector_store_idx %arg9[%add3A_467, %add3A_461], %get3A_309 : memref<64x257xf32, #tpu.memory_space<vmem>>[vector<16xi32>, vector<16xi32>], vector<16xf32>,
        %add3A_468 = arith.constant 32 : i32
        %add3A_469 = vector.broadcast %add3A_468 : i32 to vector<16xi32>
        %add3A_470 = arith.addi %iota3A, %add3A_469 : vector<16xi32>
        tpu.vector_store_idx %arg9[%add3A_470, %add3A_461], %get3A_312 : memref<64x257xf32, #tpu.memory_space<vmem>>[vector<16xi32>, vector<16xi32>], vector<16xf32>,
        %add3A_471 = arith.constant 48 : i32
        %add3A_472 = vector.broadcast %add3A_471 : i32 to vector<16xi32>
        %add3A_473 = arith.addi %iota3A, %add3A_472 : vector<16xi32>
        tpu.vector_store_idx %arg9[%add3A_473, %add3A_461], %get3A_315 : memref<64x257xf32, #tpu.memory_space<vmem>>[vector<16xi32>, vector<16xi32>], vector<16xf32>,
        %mul3A_474 = arith.constant 8 : i32
        %mul3A_475 = arith.muli %scan3A_220, %mul3A_474 : i32
        %add3A_476 = arith.constant 6 : i32
        %add3A_477 = arith.addi %mul3A_475, %add3A_476 : i32
        %mul3A_478 = arith.constant 0 : i32
        %mul3A_479 = vector.broadcast %mul3A_478 : i32 to vector<16xi32>
        %mul3A_480 = arith.muli %iota3A, %mul3A_479 : vector<16xi32>
        %add3A_481 = vector.broadcast %add3A_477 : i32 to vector<16xi32>
        %add3A_482 = arith.addi %mul3A_480, %add3A_481 : vector<16xi32>
        %add3A_483 = arith.constant 0 : i32
        %add3A_484 = vector.broadcast %add3A_483 : i32 to vector<16xi32>
        %add3A_485 = arith.addi %iota3A, %add3A_484 : vector<16xi32>
        tpu.vector_store_idx %arg9[%add3A_485, %add3A_482], %get3A_322 : memref<64x257xf32, #tpu.memory_space<vmem>>[vector<16xi32>, vector<16xi32>], vector<16xf32>,
        %add3A_486 = arith.constant 16 : i32
        %add3A_487 = vector.broadcast %add3A_486 : i32 to vector<16xi32>
        %add3A_488 = arith.addi %iota3A, %add3A_487 : vector<16xi32>
        tpu.vector_store_idx %arg9[%add3A_488, %add3A_482], %get3A_325 : memref<64x257xf32, #tpu.memory_space<vmem>>[vector<16xi32>, vector<16xi32>], vector<16xf32>,
        %add3A_489 = arith.constant 32 : i32
        %add3A_490 = vector.broadcast %add3A_489 : i32 to vector<16xi32>
        %add3A_491 = arith.addi %iota3A, %add3A_490 : vector<16xi32>
        tpu.vector_store_idx %arg9[%add3A_491, %add3A_482], %get3A_328 : memref<64x257xf32, #tpu.memory_space<vmem>>[vector<16xi32>, vector<16xi32>], vector<16xf32>,
        %add3A_492 = arith.constant 48 : i32
        %add3A_493 = vector.broadcast %add3A_492 : i32 to vector<16xi32>
        %add3A_494 = arith.addi %iota3A, %add3A_493 : vector<16xi32>
        tpu.vector_store_idx %arg9[%add3A_494, %add3A_482], %get3A_331 : memref<64x257xf32, #tpu.memory_space<vmem>>[vector<16xi32>, vector<16xi32>], vector<16xf32>,
        %mul3A_495 = arith.constant 8 : i32
        %mul3A_496 = arith.muli %scan3A_220, %mul3A_495 : i32
        %add3A_497 = arith.constant 7 : i32
        %add3A_498 = arith.addi %mul3A_496, %add3A_497 : i32
        %mul3A_499 = arith.constant 0 : i32
        %mul3A_500 = vector.broadcast %mul3A_499 : i32 to vector<16xi32>
        %mul3A_501 = arith.muli %iota3A, %mul3A_500 : vector<16xi32>
        %add3A_502 = vector.broadcast %add3A_498 : i32 to vector<16xi32>
        %add3A_503 = arith.addi %mul3A_501, %add3A_502 : vector<16xi32>
        %add3A_504 = arith.constant 0 : i32
        %add3A_505 = vector.broadcast %add3A_504 : i32 to vector<16xi32>
        %add3A_506 = arith.addi %iota3A, %add3A_505 : vector<16xi32>
        tpu.vector_store_idx %arg9[%add3A_506, %add3A_503], %get3A_338 : memref<64x257xf32, #tpu.memory_space<vmem>>[vector<16xi32>, vector<16xi32>], vector<16xf32>,
        %add3A_507 = arith.constant 16 : i32
        %add3A_508 = vector.broadcast %add3A_507 : i32 to vector<16xi32>
        %add3A_509 = arith.addi %iota3A, %add3A_508 : vector<16xi32>
        tpu.vector_store_idx %arg9[%add3A_509, %add3A_503], %get3A_341 : memref<64x257xf32, #tpu.memory_space<vmem>>[vector<16xi32>, vector<16xi32>], vector<16xf32>,
        %add3A_510 = arith.constant 32 : i32
        %add3A_511 = vector.broadcast %add3A_510 : i32 to vector<16xi32>
        %add3A_512 = arith.addi %iota3A, %add3A_511 : vector<16xi32>
        tpu.vector_store_idx %arg9[%add3A_512, %add3A_503], %get3A_344 : memref<64x257xf32, #tpu.memory_space<vmem>>[vector<16xi32>, vector<16xi32>], vector<16xf32>,
        %add3A_513 = arith.constant 48 : i32
        %add3A_514 = vector.broadcast %add3A_513 : i32 to vector<16xi32>
        %add3A_515 = arith.addi %iota3A, %add3A_514 : vector<16xi32>
        tpu.vector_store_idx %arg9[%add3A_515, %add3A_503], %get3A_347 : memref<64x257xf32, #tpu.memory_space<vmem>>[vector<16xi32>, vector<16xi32>], vector<16xf32>,
      }
      %scan3A_88 = arith.constant 32 : i32
      %jit3A = arith.constant 2 : i32
      %div3A = arith.divsi %add3A_64, %jit3A : i32
      %sign3A = arith.constant 0 : i32
      %sign3A_89 = arith.cmpi sgt, %add3A_64, %sign3A : i32
      %sign3A_90 = arith.extui %sign3A_89 : i1 to i32
      %sign3A_91 = arith.constant 0 : i32
      %sign3A_92 = arith.cmpi slt, %add3A_64, %sign3A_91 : i32
      %sign3A_93 = arith.extui %sign3A_92 : i1 to i32
      %sign3A_94 = arith.subi %sign3A_90, %sign3A_93 : i32
      %sign3A_95 = arith.constant 0 : i32
      %sign3A_96 = arith.cmpi sgt, %jit3A, %sign3A_95 : i32
      %sign3A_97 = arith.extui %sign3A_96 : i1 to i32
      %sign3A_98 = arith.constant 0 : i32
      %sign3A_99 = arith.cmpi slt, %jit3A, %sign3A_98 : i32
      %sign3A_100 = arith.extui %sign3A_99 : i1 to i32
      %sign3A_101 = arith.subi %sign3A_97, %sign3A_100 : i32
      %ne3A = arith.cmpi ne, %sign3A_94, %sign3A_101 : i32
      %rem3A = arith.remsi %add3A_64, %jit3A : i32
      %ne3A_102 = arith.constant 0 : i32
      %ne3A_103 = arith.cmpi ne, %rem3A, %ne3A_102 : i32
      %and3A = arith.andi %ne3A, %ne3A_103 : i1
      %sub3A = arith.constant 1 : i32
      %sub3A_104 = arith.subi %div3A, %sub3A : i32
      %select_n3A = arith.select %and3A, %sub3A_104, %div3A : i32
      %jit3A_105 = arith.constant 2 : i32
      %eq3A = arith.constant 0 : i32
      %eq3A_106 = arith.cmpi eq, %jit3A_105, %eq3A : i32
      %jit3A_107 = arith.constant 1 : i32
      %select_n3A_108 = arith.select %eq3A_106, %jit3A_107, %jit3A_105 : i32
      %rem3A_109 = arith.remsi %add3A_64, %select_n3A_108 : i32
      %ne3A_110 = arith.constant 0 : i32
      %ne3A_111 = arith.cmpi ne, %rem3A_109, %ne3A_110 : i32
      %lt3A_112 = arith.constant 0 : i32
      %lt3A_113 = arith.cmpi slt, %rem3A_109, %lt3A_112 : i32
      %lt3A_114 = arith.constant 0 : i32
      %lt3A_115 = arith.cmpi slt, %select_n3A_108, %lt3A_114 : i32
      %ne3A_116 = arith.xori %lt3A_113, %lt3A_115 : i1
      %and3A_117 = arith.andi %ne3A_116, %ne3A_111 : i1
      %add3A_118 = arith.addi %rem3A_109, %select_n3A_108 : i32
      %select_n3A_119 = arith.select %and3A_117, %add3A_118, %rem3A_109 : i32
      %mul3A_120 = arith.constant 256 : i32
      %mul3A_121 = arith.muli %select_n3A_119, %mul3A_120 : i32
      %add3A_122 = arith.addi %mul3A_2, %mul3A_121 : i32
      %dma_start3A_123 = arith.constant 0 : i32
      %dma_start3A_124 = arith.constant 0 : i32
      %dma_start3A_125 = tpu.memref_slice %arg9[%dma_start3A_123, %dma_start3A_124] : memref<64x257xf32, #tpu.memory_space<vmem>> -> memref<64x256xf32, #tpu.memory_space<vmem>>
      %dma_start3A_126 = arith.constant 0 : i32
      %dma_start3A_127 = tpu.memref_slice %arg4[%select_n3A, %dma_start3A_126, %add3A_122] : memref<200x64x16384xf32, #tpu.memory_space<hbm>> -> memref<1x64x256xf32, #tpu.memory_space<hbm>>
      %dma_start3A_128 = tpu.memref_squeeze %dma_start3A_127 : memref<1x64x256xf32, #tpu.memory_space<hbm>> -> memref<64x256xf32, #tpu.memory_space<hbm>>
      %dma_start3A_129 = arith.constant 0 : i32
      %dma_start3A_130 = tpu.memref_slice %arg4[%select_n3A, %dma_start3A_129, %add3A_122] : memref<200x64x16384xf32, #tpu.memory_space<hbm>> -> memref<1x64x256xf32, #tpu.memory_space<hbm>>
      %dma_start3A_131 = tpu.memref_squeeze %dma_start3A_130 : memref<1x64x256xf32, #tpu.memory_space<hbm>> -> memref<64x256xf32, #tpu.memory_space<hbm>>
      %dma_start3A_132 = arith.constant 0 : i32
      %dma_start3A_133 = arith.constant 0 : i32
      %dma_start3A_134 = tpu.memref_slice %arg9[%dma_start3A_132, %dma_start3A_133] : memref<64x257xf32, #tpu.memory_space<vmem>> -> memref<64x256xf32, #tpu.memory_space<vmem>>
      tpu.enqueue_dma source(%dma_start3A_134 : memref<64x256xf32, #tpu.memory_space<vmem>>) target(%dma_start3A_131 : memref<64x256xf32, #tpu.memory_space<hbm>>) target_semaphore(%arg15 : memref<!tpu.dma_semaphore, #tpu.memory_space<semaphore_mem>>)
      %add3A_135 = arith.constant 1 : i32
      %add3A_136 = arith.addi %mul3A_62, %add3A_135 : i32
      %dma_wait3A_137 = arith.constant 0 : i32
      %dma_wait3A_138 = arith.constant 0 : i32
      %dma_wait3A_139 = tpu.memref_slice %arg3[%dma_wait3A_137, %dma_wait3A_138] : memref<1000000x64xf32, #tpu.memory_space<hbm>> -> memref<1000000x64xf32, #tpu.memory_space<hbm>>
      tpu.wait_indirect_dma semaphore(%arg14 : memref<!tpu.dma_semaphore, #tpu.memory_space<semaphore_mem>>) src(%dma_wait3A_139 : memref<1000000x64xf32, #tpu.memory_space<hbm>>) dst(%arg8 : memref<256x64xf32, #tpu.memory_space<vmem>>)
      %add3A_140 = arith.constant 1 : i32
      %add3A_141 = arith.addi %add3A_136, %add3A_140 : i32
      %lt3A_142 = arith.constant 400 : i32
      %lt3A_143 = arith.cmpi slt, %add3A_141, %lt3A_142 : i32
      %convert_element_type3A_144 = arith.extui %lt3A_143 : i1 to i32
      %cond3A_145 = arith.constant 0 : i32
      %cond3A_146 = arith.cmpi ne, %convert_element_type3A_144, %cond3A_145 : i32
      scf.if %cond3A_146 {
        %add3A_220 = arith.constant 1 : i32
        %add3A_221 = arith.addi %add3A_136, %add3A_220 : i32
        %jit3A_222 = arith.constant 2 : i32
        %div3A_223 = arith.divsi %add3A_221, %jit3A_222 : i32
        %sign3A_224 = arith.constant 0 : i32
        %sign3A_225 = arith.cmpi sgt, %add3A_221, %sign3A_224 : i32
        %sign3A_226 = arith.extui %sign3A_225 : i1 to i32
        %sign3A_227 = arith.constant 0 : i32
        %sign3A_228 = arith.cmpi slt, %add3A_221, %sign3A_227 : i32
        %sign3A_229 = arith.extui %sign3A_228 : i1 to i32
        %sign3A_230 = arith.subi %sign3A_226, %sign3A_229 : i32
        %sign3A_231 = arith.constant 0 : i32
        %sign3A_232 = arith.cmpi sgt, %jit3A_222, %sign3A_231 : i32
        %sign3A_233 = arith.extui %sign3A_232 : i1 to i32
        %sign3A_234 = arith.constant 0 : i32
        %sign3A_235 = arith.cmpi slt, %jit3A_222, %sign3A_234 : i32
        %sign3A_236 = arith.extui %sign3A_235 : i1 to i32
        %sign3A_237 = arith.subi %sign3A_233, %sign3A_236 : i32
        %ne3A_238 = arith.cmpi ne, %sign3A_230, %sign3A_237 : i32
        %rem3A_239 = arith.remsi %add3A_221, %jit3A_222 : i32
        %ne3A_240 = arith.constant 0 : i32
        %ne3A_241 = arith.cmpi ne, %rem3A_239, %ne3A_240 : i32
        %and3A_242 = arith.andi %ne3A_238, %ne3A_241 : i1
        %sub3A_243 = arith.constant 1 : i32
        %sub3A_244 = arith.subi %div3A_223, %sub3A_243 : i32
        %select_n3A_245 = arith.select %and3A_242, %sub3A_244, %div3A_223 : i32
        %jit3A_246 = arith.constant 2 : i32
        %eq3A_247 = arith.constant 0 : i32
        %eq3A_248 = arith.cmpi eq, %jit3A_246, %eq3A_247 : i32
        %jit3A_249 = arith.constant 1 : i32
        %select_n3A_250 = arith.select %eq3A_248, %jit3A_249, %jit3A_246 : i32
        %rem3A_251 = arith.remsi %add3A_221, %select_n3A_250 : i32
        %ne3A_252 = arith.constant 0 : i32
        %ne3A_253 = arith.cmpi ne, %rem3A_251, %ne3A_252 : i32
        %lt3A_254 = arith.constant 0 : i32
        %lt3A_255 = arith.cmpi slt, %rem3A_251, %lt3A_254 : i32
        %lt3A_256 = arith.constant 0 : i32
        %lt3A_257 = arith.cmpi slt, %select_n3A_250, %lt3A_256 : i32
        %ne3A_258 = arith.xori %lt3A_255, %lt3A_257 : i1
        %and3A_259 = arith.andi %ne3A_258, %ne3A_253 : i1
        %add3A_260 = arith.addi %rem3A_251, %select_n3A_250 : i32
        %select_n3A_261 = arith.select %and3A_259, %add3A_260, %rem3A_251 : i32
        %mul3A_262 = arith.constant 256 : i32
        %mul3A_263 = arith.muli %select_n3A_261, %mul3A_262 : i32
        %add3A_264 = arith.addi %mul3A_2, %mul3A_263 : i32
        %dma_wait3A_265 = tpu.memref_slice %arg2[%select_n3A_245, %add3A_264] : memref<200x16384xi32, #tpu.memory_space<hbm>> -> memref<1x256xi32, #tpu.memory_space<hbm>>
        %dma_wait3A_266 = tpu.memref_squeeze %dma_wait3A_265 : memref<1x256xi32, #tpu.memory_space<hbm>> -> memref<256xi32, #tpu.memory_space<hbm>>
        %dma_wait3A_267 = tpu.memref_slice %arg2[%select_n3A_245, %add3A_264] : memref<200x16384xi32, #tpu.memory_space<hbm>> -> memref<1x256xi32, #tpu.memory_space<hbm>>
        %dma_wait3A_268 = tpu.memref_squeeze %dma_wait3A_267 : memref<1x256xi32, #tpu.memory_space<hbm>> -> memref<256xi32, #tpu.memory_space<hbm>>
        tpu.wait_dma2 semaphore(%arg11 : memref<!tpu.dma_semaphore, #tpu.memory_space<semaphore_mem>>) src(%dma_wait3A_268 : memref<256xi32, #tpu.memory_space<hbm>>) dst(%arg5 : memref<256xi32, #tpu.memory_space<vmem>>)
        %dma_start3A_269 = arith.constant 0 : i32
        %dma_start3A_270 = arith.constant 0 : i32
        %dma_start3A_271 = tpu.memref_slice %arg3[%dma_start3A_269, %dma_start3A_270] : memref<1000000x64xf32, #tpu.memory_space<hbm>> -> memref<1000000x64xf32, #tpu.memory_space<hbm>>
        tpu.enqueue_indirect_dma source(%dma_start3A_271 : memref<1000000x64xf32, #tpu.memory_space<hbm>>) target(%arg7 : memref<256x64xf32, #tpu.memory_space<vmem>>) offsets(%arg5 : memref<256xi32, #tpu.memory_space<vmem>>) semaphore(%arg13 : memref<!tpu.dma_semaphore, #tpu.memory_space<semaphore_mem>>)
      } else {
      }
      %add3A_147 = arith.constant 2 : i32
      %add3A_148 = arith.addi %add3A_136, %add3A_147 : i32
      %lt3A_149 = arith.constant 400 : i32
      %lt3A_150 = arith.cmpi slt, %add3A_148, %lt3A_149 : i32
      %convert_element_type3A_151 = arith.extui %lt3A_150 : i1 to i32
      %cond3A_152 = arith.constant 0 : i32
      %cond3A_153 = arith.cmpi ne, %convert_element_type3A_151, %cond3A_152 : i32
      scf.if %cond3A_153 {
        %add3A_220 = arith.constant 2 : i32
        %add3A_221 = arith.addi %add3A_136, %add3A_220 : i32
        %jit3A_222 = arith.constant 2 : i32
        %div3A_223 = arith.divsi %add3A_221, %jit3A_222 : i32
        %sign3A_224 = arith.constant 0 : i32
        %sign3A_225 = arith.cmpi sgt, %add3A_221, %sign3A_224 : i32
        %sign3A_226 = arith.extui %sign3A_225 : i1 to i32
        %sign3A_227 = arith.constant 0 : i32
        %sign3A_228 = arith.cmpi slt, %add3A_221, %sign3A_227 : i32
        %sign3A_229 = arith.extui %sign3A_228 : i1 to i32
        %sign3A_230 = arith.subi %sign3A_226, %sign3A_229 : i32
        %sign3A_231 = arith.constant 0 : i32
        %sign3A_232 = arith.cmpi sgt, %jit3A_222, %sign3A_231 : i32
        %sign3A_233 = arith.extui %sign3A_232 : i1 to i32
        %sign3A_234 = arith.constant 0 : i32
        %sign3A_235 = arith.cmpi slt, %jit3A_222, %sign3A_234 : i32
        %sign3A_236 = arith.extui %sign3A_235 : i1 to i32
        %sign3A_237 = arith.subi %sign3A_233, %sign3A_236 : i32
        %ne3A_238 = arith.cmpi ne, %sign3A_230, %sign3A_237 : i32
        %rem3A_239 = arith.remsi %add3A_221, %jit3A_222 : i32
        %ne3A_240 = arith.constant 0 : i32
        %ne3A_241 = arith.cmpi ne, %rem3A_239, %ne3A_240 : i32
        %and3A_242 = arith.andi %ne3A_238, %ne3A_241 : i1
        %sub3A_243 = arith.constant 1 : i32
        %sub3A_244 = arith.subi %div3A_223, %sub3A_243 : i32
        %select_n3A_245 = arith.select %and3A_242, %sub3A_244, %div3A_223 : i32
        %jit3A_246 = arith.constant 2 : i32
        %eq3A_247 = arith.constant 0 : i32
        %eq3A_248 = arith.cmpi eq, %jit3A_246, %eq3A_247 : i32
        %jit3A_249 = arith.constant 1 : i32
        %select_n3A_250 = arith.select %eq3A_248, %jit3A_249, %jit3A_246 : i32
        %rem3A_251 = arith.remsi %add3A_221, %select_n3A_250 : i32
        %ne3A_252 = arith.constant 0 : i32
        %ne3A_253 = arith.cmpi ne, %rem3A_251, %ne3A_252 : i32
        %lt3A_254 = arith.constant 0 : i32
        %lt3A_255 = arith.cmpi slt, %rem3A_251, %lt3A_254 : i32
        %lt3A_256 = arith.constant 0 : i32
        %lt3A_257 = arith.cmpi slt, %select_n3A_250, %lt3A_256 : i32
        %ne3A_258 = arith.xori %lt3A_255, %lt3A_257 : i1
        %and3A_259 = arith.andi %ne3A_258, %ne3A_253 : i1
        %add3A_260 = arith.addi %rem3A_251, %select_n3A_250 : i32
        %select_n3A_261 = arith.select %and3A_259, %add3A_260, %rem3A_251 : i32
        %mul3A_262 = arith.constant 256 : i32
        %mul3A_263 = arith.muli %select_n3A_261, %mul3A_262 : i32
        %add3A_264 = arith.addi %mul3A_2, %mul3A_263 : i32
        %dma_start3A_265 = tpu.memref_slice %arg2[%select_n3A_245, %add3A_264] : memref<200x16384xi32, #tpu.memory_space<hbm>> -> memref<1x256xi32, #tpu.memory_space<hbm>>
        %dma_start3A_266 = tpu.memref_squeeze %dma_start3A_265 : memref<1x256xi32, #tpu.memory_space<hbm>> -> memref<256xi32, #tpu.memory_space<hbm>>
        %dma_start3A_267 = tpu.memref_slice %arg2[%select_n3A_245, %add3A_264] : memref<200x16384xi32, #tpu.memory_space<hbm>> -> memref<1x256xi32, #tpu.memory_space<hbm>>
        %dma_start3A_268 = tpu.memref_squeeze %dma_start3A_267 : memref<1x256xi32, #tpu.memory_space<hbm>> -> memref<256xi32, #tpu.memory_space<hbm>>
        tpu.enqueue_dma source(%dma_start3A_268 : memref<256xi32, #tpu.memory_space<hbm>>) target(%arg6 : memref<256xi32, #tpu.memory_space<vmem>>) target_semaphore(%arg12 : memref<!tpu.dma_semaphore, #tpu.memory_space<semaphore_mem>>)
      } else {
      }
      %ge3A_154 = arith.constant 2 : i32
      %ge3A_155 = arith.cmpi sge, %add3A_136, %ge3A_154 : i32
      %convert_element_type3A_156 = arith.extui %ge3A_155 : i1 to i32
      %cond3A_157 = arith.constant 0 : i32
      %cond3A_158 = arith.cmpi ne, %convert_element_type3A_156, %cond3A_157 : i32
      scf.if %cond3A_158 {
        %jit3A_220 = arith.constant 2 : i32
        %div3A_221 = arith.divsi %add3A_136, %jit3A_220 : i32
        %sign3A_222 = arith.constant 0 : i32
        %sign3A_223 = arith.cmpi sgt, %add3A_136, %sign3A_222 : i32
        %sign3A_224 = arith.extui %sign3A_223 : i1 to i32
        %sign3A_225 = arith.constant 0 : i32
        %sign3A_226 = arith.cmpi slt, %add3A_136, %sign3A_225 : i32
        %sign3A_227 = arith.extui %sign3A_226 : i1 to i32
        %sign3A_228 = arith.subi %sign3A_224, %sign3A_227 : i32
        %sign3A_229 = arith.constant 0 : i32
        %sign3A_230 = arith.cmpi sgt, %jit3A_220, %sign3A_229 : i32
        %sign3A_231 = arith.extui %sign3A_230 : i1 to i32
        %sign3A_232 = arith.constant 0 : i32
        %sign3A_233 = arith.cmpi slt, %jit3A_220, %sign3A_232 : i32
        %sign3A_234 = arith.extui %sign3A_233 : i1 to i32
        %sign3A_235 = arith.subi %sign3A_231, %sign3A_234 : i32
        %ne3A_236 = arith.cmpi ne, %sign3A_228, %sign3A_235 : i32
        %rem3A_237 = arith.remsi %add3A_136, %jit3A_220 : i32
        %ne3A_238 = arith.constant 0 : i32
        %ne3A_239 = arith.cmpi ne, %rem3A_237, %ne3A_238 : i32
        %and3A_240 = arith.andi %ne3A_236, %ne3A_239 : i1
        %sub3A_241 = arith.constant 1 : i32
        %sub3A_242 = arith.subi %div3A_221, %sub3A_241 : i32
        %select_n3A_243 = arith.select %and3A_240, %sub3A_242, %div3A_221 : i32
        %jit3A_244 = arith.constant 2 : i32
        %eq3A_245 = arith.constant 0 : i32
        %eq3A_246 = arith.cmpi eq, %jit3A_244, %eq3A_245 : i32
        %jit3A_247 = arith.constant 1 : i32
        %select_n3A_248 = arith.select %eq3A_246, %jit3A_247, %jit3A_244 : i32
        %rem3A_249 = arith.remsi %add3A_136, %select_n3A_248 : i32
        %ne3A_250 = arith.constant 0 : i32
        %ne3A_251 = arith.cmpi ne, %rem3A_249, %ne3A_250 : i32
        %lt3A_252 = arith.constant 0 : i32
        %lt3A_253 = arith.cmpi slt, %rem3A_249, %lt3A_252 : i32
        %lt3A_254 = arith.constant 0 : i32
        %lt3A_255 = arith.cmpi slt, %select_n3A_248, %lt3A_254 : i32
        %ne3A_256 = arith.xori %lt3A_253, %lt3A_255 : i1
        %and3A_257 = arith.andi %ne3A_256, %ne3A_251 : i1
        %add3A_258 = arith.addi %rem3A_249, %select_n3A_248 : i32
        %select_n3A_259 = arith.select %and3A_257, %add3A_258, %rem3A_249 : i32
        %mul3A_260 = arith.constant 256 : i32
        %mul3A_261 = arith.muli %select_n3A_259, %mul3A_260 : i32
        %add3A_262 = arith.addi %mul3A_2, %mul3A_261 : i32
        %dma_wait3A_263 = arith.constant 0 : i32
        %dma_wait3A_264 = arith.constant 0 : i32
        %dma_wait3A_265 = tpu.memref_slice %arg10[%dma_wait3A_263, %dma_wait3A_264] : memref<64x257xf32, #tpu.memory_space<vmem>> -> memref<64x256xf32, #tpu.memory_space<vmem>>
        %dma_wait3A_266 = arith.constant 0 : i32
        %dma_wait3A_267 = tpu.memref_slice %arg4[%select_n3A_243, %dma_wait3A_266, %add3A_262] : memref<200x64x16384xf32, #tpu.memory_space<hbm>> -> memref<1x64x256xf32, #tpu.memory_space<hbm>>
        %dma_wait3A_268 = tpu.memref_squeeze %dma_wait3A_267 : memref<1x64x256xf32, #tpu.memory_space<hbm>> -> memref<64x256xf32, #tpu.memory_space<hbm>>
        %dma_wait3A_269 = arith.constant 0 : i32
        %dma_wait3A_270 = tpu.memref_slice %arg4[%select_n3A_243, %dma_wait3A_269, %add3A_262] : memref<200x64x16384xf32, #tpu.memory_space<hbm>> -> memref<1x64x256xf32, #tpu.memory_space<hbm>>
        %dma_wait3A_271 = tpu.memref_squeeze %dma_wait3A_270 : memref<1x64x256xf32, #tpu.memory_space<hbm>> -> memref<64x256xf32, #tpu.memory_space<hbm>>
        %dma_wait3A_272 = arith.constant 0 : i32
        %dma_wait3A_273 = arith.constant 0 : i32
        %dma_wait3A_274 = tpu.memref_slice %arg10[%dma_wait3A_272, %dma_wait3A_273] : memref<64x257xf32, #tpu.memory_space<vmem>> -> memref<64x256xf32, #tpu.memory_space<vmem>>
        tpu.wait_dma2 semaphore(%arg16 : memref<!tpu.dma_semaphore, #tpu.memory_space<semaphore_mem>>) src(%dma_wait3A_274 : memref<64x256xf32, #tpu.memory_space<vmem>>) dst(%dma_wait3A_271 : memref<64x256xf32, #tpu.memory_space<hbm>>)
      } else {
      }
      %scan3A_159 = arith.constant 0 : i32
      %scan3A_160 = arith.constant 0 : i32
      %scan3A_161 = arith.constant 32 : i32
      %scan3A_162 = arith.addi %scan3A_160, %scan3A_161 : i32
      %scan3A_163 = arith.constant 1 : i32
      scf.for %scan3A_220 = %scan3A_160 to %scan3A_162 step %scan3A_163  : i32 {
        %mul3A_221 = arith.constant 8 : i32
        %mul3A_222 = arith.muli %scan3A_220, %mul3A_221 : i32
        %add3A_223 = arith.constant 0 : i32
        %add3A_224 = arith.addi %mul3A_222, %add3A_223 : i32
        %get3A = arith.index_cast %add3A_224 : i32 to index
        %get3A_225 = arith.constant 0 : index
        %get3A_226 = tpu.vector_load %arg8[%get3A, %get3A_225] {strides = array<i32>} : memref<256x64xf32, #tpu.memory_space<vmem>>, vector<16xf32>,
        %get3A_227 = arith.index_cast %add3A_224 : i32 to index
        %get3A_228 = arith.constant 16 : index
        %get3A_229 = tpu.vector_load %arg8[%get3A_227, %get3A_228] {strides = array<i32>} : memref<256x64xf32, #tpu.memory_space<vmem>>, vector<16xf32>,
        %get3A_230 = arith.index_cast %add3A_224 : i32 to index
        %get3A_231 = arith.constant 32 : index
        %get3A_232 = tpu.vector_load %arg8[%get3A_230, %get3A_231] {strides = array<i32>} : memref<256x64xf32, #tpu.memory_space<vmem>>, vector<16xf32>,
        %get3A_233 = arith.index_cast %add3A_224 : i32 to index
        %get3A_234 = arith.constant 48 : index
        %get3A_235 = tpu.vector_load %arg8[%get3A_233, %get3A_234] {strides = array<i32>} : memref<256x64xf32, #tpu.memory_space<vmem>>, vector<16xf32>,
        %mul3A_236 = arith.constant 8 : i32
        %mul3A_237 = arith.muli %scan3A_220, %mul3A_236 : i32
        %add3A_238 = arith.constant 1 : i32
        %add3A_239 = arith.addi %mul3A_237, %add3A_238 : i32
        %get3A_240 = arith.index_cast %add3A_239 : i32 to index
        %get3A_241 = arith.constant 0 : index
        %get3A_242 = tpu.vector_load %arg8[%get3A_240, %get3A_241] {strides = array<i32>} : memref<256x64xf32, #tpu.memory_space<vmem>>, vector<16xf32>,
        %get3A_243 = arith.index_cast %add3A_239 : i32 to index
        %get3A_244 = arith.constant 16 : index
        %get3A_245 = tpu.vector_load %arg8[%get3A_243, %get3A_244] {strides = array<i32>} : memref<256x64xf32, #tpu.memory_space<vmem>>, vector<16xf32>,
        %get3A_246 = arith.index_cast %add3A_239 : i32 to index
        %get3A_247 = arith.constant 32 : index
        %get3A_248 = tpu.vector_load %arg8[%get3A_246, %get3A_247] {strides = array<i32>} : memref<256x64xf32, #tpu.memory_space<vmem>>, vector<16xf32>,
        %get3A_249 = arith.index_cast %add3A_239 : i32 to index
        %get3A_250 = arith.constant 48 : index
        %get3A_251 = tpu.vector_load %arg8[%get3A_249, %get3A_250] {strides = array<i32>} : memref<256x64xf32, #tpu.memory_space<vmem>>, vector<16xf32>,
        %mul3A_252 = arith.constant 8 : i32
        %mul3A_253 = arith.muli %scan3A_220, %mul3A_252 : i32
        %add3A_254 = arith.constant 2 : i32
        %add3A_255 = arith.addi %mul3A_253, %add3A_254 : i32
        %get3A_256 = arith.index_cast %add3A_255 : i32 to index
        %get3A_257 = arith.constant 0 : index
        %get3A_258 = tpu.vector_load %arg8[%get3A_256, %get3A_257] {strides = array<i32>} : memref<256x64xf32, #tpu.memory_space<vmem>>, vector<16xf32>,
        %get3A_259 = arith.index_cast %add3A_255 : i32 to index
        %get3A_260 = arith.constant 16 : index
        %get3A_261 = tpu.vector_load %arg8[%get3A_259, %get3A_260] {strides = array<i32>} : memref<256x64xf32, #tpu.memory_space<vmem>>, vector<16xf32>,
        %get3A_262 = arith.index_cast %add3A_255 : i32 to index
        %get3A_263 = arith.constant 32 : index
        %get3A_264 = tpu.vector_load %arg8[%get3A_262, %get3A_263] {strides = array<i32>} : memref<256x64xf32, #tpu.memory_space<vmem>>, vector<16xf32>,
        %get3A_265 = arith.index_cast %add3A_255 : i32 to index
        %get3A_266 = arith.constant 48 : index
        %get3A_267 = tpu.vector_load %arg8[%get3A_265, %get3A_266] {strides = array<i32>} : memref<256x64xf32, #tpu.memory_space<vmem>>, vector<16xf32>,
        %mul3A_268 = arith.constant 8 : i32
        %mul3A_269 = arith.muli %scan3A_220, %mul3A_268 : i32
        %add3A_270 = arith.constant 3 : i32
        %add3A_271 = arith.addi %mul3A_269, %add3A_270 : i32
        %get3A_272 = arith.index_cast %add3A_271 : i32 to index
        %get3A_273 = arith.constant 0 : index
        %get3A_274 = tpu.vector_load %arg8[%get3A_272, %get3A_273] {strides = array<i32>} : memref<256x64xf32, #tpu.memory_space<vmem>>, vector<16xf32>,
        %get3A_275 = arith.index_cast %add3A_271 : i32 to index
        %get3A_276 = arith.constant 16 : index
        %get3A_277 = tpu.vector_load %arg8[%get3A_275, %get3A_276] {strides = array<i32>} : memref<256x64xf32, #tpu.memory_space<vmem>>, vector<16xf32>,
        %get3A_278 = arith.index_cast %add3A_271 : i32 to index
        %get3A_279 = arith.constant 32 : index
        %get3A_280 = tpu.vector_load %arg8[%get3A_278, %get3A_279] {strides = array<i32>} : memref<256x64xf32, #tpu.memory_space<vmem>>, vector<16xf32>,
        %get3A_281 = arith.index_cast %add3A_271 : i32 to index
        %get3A_282 = arith.constant 48 : index
        %get3A_283 = tpu.vector_load %arg8[%get3A_281, %get3A_282] {strides = array<i32>} : memref<256x64xf32, #tpu.memory_space<vmem>>, vector<16xf32>,
        %mul3A_284 = arith.constant 8 : i32
        %mul3A_285 = arith.muli %scan3A_220, %mul3A_284 : i32
        %add3A_286 = arith.constant 4 : i32
        %add3A_287 = arith.addi %mul3A_285, %add3A_286 : i32
        %get3A_288 = arith.index_cast %add3A_287 : i32 to index
        %get3A_289 = arith.constant 0 : index
        %get3A_290 = tpu.vector_load %arg8[%get3A_288, %get3A_289] {strides = array<i32>} : memref<256x64xf32, #tpu.memory_space<vmem>>, vector<16xf32>,
        %get3A_291 = arith.index_cast %add3A_287 : i32 to index
        %get3A_292 = arith.constant 16 : index
        %get3A_293 = tpu.vector_load %arg8[%get3A_291, %get3A_292] {strides = array<i32>} : memref<256x64xf32, #tpu.memory_space<vmem>>, vector<16xf32>,
        %get3A_294 = arith.index_cast %add3A_287 : i32 to index
        %get3A_295 = arith.constant 32 : index
        %get3A_296 = tpu.vector_load %arg8[%get3A_294, %get3A_295] {strides = array<i32>} : memref<256x64xf32, #tpu.memory_space<vmem>>, vector<16xf32>,
        %get3A_297 = arith.index_cast %add3A_287 : i32 to index
        %get3A_298 = arith.constant 48 : index
        %get3A_299 = tpu.vector_load %arg8[%get3A_297, %get3A_298] {strides = array<i32>} : memref<256x64xf32, #tpu.memory_space<vmem>>, vector<16xf32>,
        %mul3A_300 = arith.constant 8 : i32
        %mul3A_301 = arith.muli %scan3A_220, %mul3A_300 : i32
        %add3A_302 = arith.constant 5 : i32
        %add3A_303 = arith.addi %mul3A_301, %add3A_302 : i32
        %get3A_304 = arith.index_cast %add3A_303 : i32 to index
        %get3A_305 = arith.constant 0 : index
        %get3A_306 = tpu.vector_load %arg8[%get3A_304, %get3A_305] {strides = array<i32>} : memref<256x64xf32, #tpu.memory_space<vmem>>, vector<16xf32>,
        %get3A_307 = arith.index_cast %add3A_303 : i32 to index
        %get3A_308 = arith.constant 16 : index
        %get3A_309 = tpu.vector_load %arg8[%get3A_307, %get3A_308] {strides = array<i32>} : memref<256x64xf32, #tpu.memory_space<vmem>>, vector<16xf32>,
        %get3A_310 = arith.index_cast %add3A_303 : i32 to index
        %get3A_311 = arith.constant 32 : index
        %get3A_312 = tpu.vector_load %arg8[%get3A_310, %get3A_311] {strides = array<i32>} : memref<256x64xf32, #tpu.memory_space<vmem>>, vector<16xf32>,
        %get3A_313 = arith.index_cast %add3A_303 : i32 to index
        %get3A_314 = arith.constant 48 : index
        %get3A_315 = tpu.vector_load %arg8[%get3A_313, %get3A_314] {strides = array<i32>} : memref<256x64xf32, #tpu.memory_space<vmem>>, vector<16xf32>,
        %mul3A_316 = arith.constant 8 : i32
        %mul3A_317 = arith.muli %scan3A_220, %mul3A_316 : i32
        %add3A_318 = arith.constant 6 : i32
        %add3A_319 = arith.addi %mul3A_317, %add3A_318 : i32
        %get3A_320 = arith.index_cast %add3A_319 : i32 to index
        %get3A_321 = arith.constant 0 : index
        %get3A_322 = tpu.vector_load %arg8[%get3A_320, %get3A_321] {strides = array<i32>} : memref<256x64xf32, #tpu.memory_space<vmem>>, vector<16xf32>,
        %get3A_323 = arith.index_cast %add3A_319 : i32 to index
        %get3A_324 = arith.constant 16 : index
        %get3A_325 = tpu.vector_load %arg8[%get3A_323, %get3A_324] {strides = array<i32>} : memref<256x64xf32, #tpu.memory_space<vmem>>, vector<16xf32>,
        %get3A_326 = arith.index_cast %add3A_319 : i32 to index
        %get3A_327 = arith.constant 32 : index
        %get3A_328 = tpu.vector_load %arg8[%get3A_326, %get3A_327] {strides = array<i32>} : memref<256x64xf32, #tpu.memory_space<vmem>>, vector<16xf32>,
        %get3A_329 = arith.index_cast %add3A_319 : i32 to index
        %get3A_330 = arith.constant 48 : index
        %get3A_331 = tpu.vector_load %arg8[%get3A_329, %get3A_330] {strides = array<i32>} : memref<256x64xf32, #tpu.memory_space<vmem>>, vector<16xf32>,
        %mul3A_332 = arith.constant 8 : i32
        %mul3A_333 = arith.muli %scan3A_220, %mul3A_332 : i32
        %add3A_334 = arith.constant 7 : i32
        %add3A_335 = arith.addi %mul3A_333, %add3A_334 : i32
        %get3A_336 = arith.index_cast %add3A_335 : i32 to index
        %get3A_337 = arith.constant 0 : index
        %get3A_338 = tpu.vector_load %arg8[%get3A_336, %get3A_337] {strides = array<i32>} : memref<256x64xf32, #tpu.memory_space<vmem>>, vector<16xf32>,
        %get3A_339 = arith.index_cast %add3A_335 : i32 to index
        %get3A_340 = arith.constant 16 : index
        %get3A_341 = tpu.vector_load %arg8[%get3A_339, %get3A_340] {strides = array<i32>} : memref<256x64xf32, #tpu.memory_space<vmem>>, vector<16xf32>,
        %get3A_342 = arith.index_cast %add3A_335 : i32 to index
        %get3A_343 = arith.constant 32 : index
        %get3A_344 = tpu.vector_load %arg8[%get3A_342, %get3A_343] {strides = array<i32>} : memref<256x64xf32, #tpu.memory_space<vmem>>, vector<16xf32>,
        %get3A_345 = arith.index_cast %add3A_335 : i32 to index
        %get3A_346 = arith.constant 48 : index
        %get3A_347 = tpu.vector_load %arg8[%get3A_345, %get3A_346] {strides = array<i32>} : memref<256x64xf32, #tpu.memory_space<vmem>>, vector<16xf32>,
        %mul3A_348 = arith.constant 8 : i32
        %mul3A_349 = arith.muli %scan3A_220, %mul3A_348 : i32
        %add3A_350 = arith.constant 0 : i32
        %add3A_351 = arith.addi %mul3A_349, %add3A_350 : i32
        %mul3A_352 = arith.constant 0 : i32
        %mul3A_353 = vector.broadcast %mul3A_352 : i32 to vector<16xi32>
        %mul3A_354 = arith.muli %iota3A, %mul3A_353 : vector<16xi32>
        %add3A_355 = vector.broadcast %add3A_351 : i32 to vector<16xi32>
        %add3A_356 = arith.addi %mul3A_354, %add3A_355 : vector<16xi32>
        %add3A_357 = arith.constant 0 : i32
        %add3A_358 = vector.broadcast %add3A_357 : i32 to vector<16xi32>
        %add3A_359 = arith.addi %iota3A, %add3A_358 : vector<16xi32>
        tpu.vector_store_idx %arg10[%add3A_359, %add3A_356], %get3A_226 : memref<64x257xf32, #tpu.memory_space<vmem>>[vector<16xi32>, vector<16xi32>], vector<16xf32>,
        %add3A_360 = arith.constant 16 : i32
        %add3A_361 = vector.broadcast %add3A_360 : i32 to vector<16xi32>
        %add3A_362 = arith.addi %iota3A, %add3A_361 : vector<16xi32>
        tpu.vector_store_idx %arg10[%add3A_362, %add3A_356], %get3A_229 : memref<64x257xf32, #tpu.memory_space<vmem>>[vector<16xi32>, vector<16xi32>], vector<16xf32>,
        %add3A_363 = arith.constant 32 : i32
        %add3A_364 = vector.broadcast %add3A_363 : i32 to vector<16xi32>
        %add3A_365 = arith.addi %iota3A, %add3A_364 : vector<16xi32>
        tpu.vector_store_idx %arg10[%add3A_365, %add3A_356], %get3A_232 : memref<64x257xf32, #tpu.memory_space<vmem>>[vector<16xi32>, vector<16xi32>], vector<16xf32>,
        %add3A_366 = arith.constant 48 : i32
        %add3A_367 = vector.broadcast %add3A_366 : i32 to vector<16xi32>
        %add3A_368 = arith.addi %iota3A, %add3A_367 : vector<16xi32>
        tpu.vector_store_idx %arg10[%add3A_368, %add3A_356], %get3A_235 : memref<64x257xf32, #tpu.memory_space<vmem>>[vector<16xi32>, vector<16xi32>], vector<16xf32>,
        %mul3A_369 = arith.constant 8 : i32
        %mul3A_370 = arith.muli %scan3A_220, %mul3A_369 : i32
        %add3A_371 = arith.constant 1 : i32
        %add3A_372 = arith.addi %mul3A_370, %add3A_371 : i32
        %mul3A_373 = arith.constant 0 : i32
        %mul3A_374 = vector.broadcast %mul3A_373 : i32 to vector<16xi32>
        %mul3A_375 = arith.muli %iota3A, %mul3A_374 : vector<16xi32>
        %add3A_376 = vector.broadcast %add3A_372 : i32 to vector<16xi32>
        %add3A_377 = arith.addi %mul3A_375, %add3A_376 : vector<16xi32>
        %add3A_378 = arith.constant 0 : i32
        %add3A_379 = vector.broadcast %add3A_378 : i32 to vector<16xi32>
        %add3A_380 = arith.addi %iota3A, %add3A_379 : vector<16xi32>
        tpu.vector_store_idx %arg10[%add3A_380, %add3A_377], %get3A_242 : memref<64x257xf32, #tpu.memory_space<vmem>>[vector<16xi32>, vector<16xi32>], vector<16xf32>,
        %add3A_381 = arith.constant 16 : i32
        %add3A_382 = vector.broadcast %add3A_381 : i32 to vector<16xi32>
        %add3A_383 = arith.addi %iota3A, %add3A_382 : vector<16xi32>
        tpu.vector_store_idx %arg10[%add3A_383, %add3A_377], %get3A_245 : memref<64x257xf32, #tpu.memory_space<vmem>>[vector<16xi32>, vector<16xi32>], vector<16xf32>,
        %add3A_384 = arith.constant 32 : i32
        %add3A_385 = vector.broadcast %add3A_384 : i32 to vector<16xi32>
        %add3A_386 = arith.addi %iota3A, %add3A_385 : vector<16xi32>
        tpu.vector_store_idx %arg10[%add3A_386, %add3A_377], %get3A_248 : memref<64x257xf32, #tpu.memory_space<vmem>>[vector<16xi32>, vector<16xi32>], vector<16xf32>,
        %add3A_387 = arith.constant 48 : i32
        %add3A_388 = vector.broadcast %add3A_387 : i32 to vector<16xi32>
        %add3A_389 = arith.addi %iota3A, %add3A_388 : vector<16xi32>
        tpu.vector_store_idx %arg10[%add3A_389, %add3A_377], %get3A_251 : memref<64x257xf32, #tpu.memory_space<vmem>>[vector<16xi32>, vector<16xi32>], vector<16xf32>,
        %mul3A_390 = arith.constant 8 : i32
        %mul3A_391 = arith.muli %scan3A_220, %mul3A_390 : i32
        %add3A_392 = arith.constant 2 : i32
        %add3A_393 = arith.addi %mul3A_391, %add3A_392 : i32
        %mul3A_394 = arith.constant 0 : i32
        %mul3A_395 = vector.broadcast %mul3A_394 : i32 to vector<16xi32>
        %mul3A_396 = arith.muli %iota3A, %mul3A_395 : vector<16xi32>
        %add3A_397 = vector.broadcast %add3A_393 : i32 to vector<16xi32>
        %add3A_398 = arith.addi %mul3A_396, %add3A_397 : vector<16xi32>
        %add3A_399 = arith.constant 0 : i32
        %add3A_400 = vector.broadcast %add3A_399 : i32 to vector<16xi32>
        %add3A_401 = arith.addi %iota3A, %add3A_400 : vector<16xi32>
        tpu.vector_store_idx %arg10[%add3A_401, %add3A_398], %get3A_258 : memref<64x257xf32, #tpu.memory_space<vmem>>[vector<16xi32>, vector<16xi32>], vector<16xf32>,
        %add3A_402 = arith.constant 16 : i32
        %add3A_403 = vector.broadcast %add3A_402 : i32 to vector<16xi32>
        %add3A_404 = arith.addi %iota3A, %add3A_403 : vector<16xi32>
        tpu.vector_store_idx %arg10[%add3A_404, %add3A_398], %get3A_261 : memref<64x257xf32, #tpu.memory_space<vmem>>[vector<16xi32>, vector<16xi32>], vector<16xf32>,
        %add3A_405 = arith.constant 32 : i32
        %add3A_406 = vector.broadcast %add3A_405 : i32 to vector<16xi32>
        %add3A_407 = arith.addi %iota3A, %add3A_406 : vector<16xi32>
        tpu.vector_store_idx %arg10[%add3A_407, %add3A_398], %get3A_264 : memref<64x257xf32, #tpu.memory_space<vmem>>[vector<16xi32>, vector<16xi32>], vector<16xf32>,
        %add3A_408 = arith.constant 48 : i32
        %add3A_409 = vector.broadcast %add3A_408 : i32 to vector<16xi32>
        %add3A_410 = arith.addi %iota3A, %add3A_409 : vector<16xi32>
        tpu.vector_store_idx %arg10[%add3A_410, %add3A_398], %get3A_267 : memref<64x257xf32, #tpu.memory_space<vmem>>[vector<16xi32>, vector<16xi32>], vector<16xf32>,
        %mul3A_411 = arith.constant 8 : i32
        %mul3A_412 = arith.muli %scan3A_220, %mul3A_411 : i32
        %add3A_413 = arith.constant 3 : i32
        %add3A_414 = arith.addi %mul3A_412, %add3A_413 : i32
        %mul3A_415 = arith.constant 0 : i32
        %mul3A_416 = vector.broadcast %mul3A_415 : i32 to vector<16xi32>
        %mul3A_417 = arith.muli %iota3A, %mul3A_416 : vector<16xi32>
        %add3A_418 = vector.broadcast %add3A_414 : i32 to vector<16xi32>
        %add3A_419 = arith.addi %mul3A_417, %add3A_418 : vector<16xi32>
        %add3A_420 = arith.constant 0 : i32
        %add3A_421 = vector.broadcast %add3A_420 : i32 to vector<16xi32>
        %add3A_422 = arith.addi %iota3A, %add3A_421 : vector<16xi32>
        tpu.vector_store_idx %arg10[%add3A_422, %add3A_419], %get3A_274 : memref<64x257xf32, #tpu.memory_space<vmem>>[vector<16xi32>, vector<16xi32>], vector<16xf32>,
        %add3A_423 = arith.constant 16 : i32
        %add3A_424 = vector.broadcast %add3A_423 : i32 to vector<16xi32>
        %add3A_425 = arith.addi %iota3A, %add3A_424 : vector<16xi32>
        tpu.vector_store_idx %arg10[%add3A_425, %add3A_419], %get3A_277 : memref<64x257xf32, #tpu.memory_space<vmem>>[vector<16xi32>, vector<16xi32>], vector<16xf32>,
        %add3A_426 = arith.constant 32 : i32
        %add3A_427 = vector.broadcast %add3A_426 : i32 to vector<16xi32>
        %add3A_428 = arith.addi %iota3A, %add3A_427 : vector<16xi32>
        tpu.vector_store_idx %arg10[%add3A_428, %add3A_419], %get3A_280 : memref<64x257xf32, #tpu.memory_space<vmem>>[vector<16xi32>, vector<16xi32>], vector<16xf32>,
        %add3A_429 = arith.constant 48 : i32
        %add3A_430 = vector.broadcast %add3A_429 : i32 to vector<16xi32>
        %add3A_431 = arith.addi %iota3A, %add3A_430 : vector<16xi32>
        tpu.vector_store_idx %arg10[%add3A_431, %add3A_419], %get3A_283 : memref<64x257xf32, #tpu.memory_space<vmem>>[vector<16xi32>, vector<16xi32>], vector<16xf32>,
        %mul3A_432 = arith.constant 8 : i32
        %mul3A_433 = arith.muli %scan3A_220, %mul3A_432 : i32
        %add3A_434 = arith.constant 4 : i32
        %add3A_435 = arith.addi %mul3A_433, %add3A_434 : i32
        %mul3A_436 = arith.constant 0 : i32
        %mul3A_437 = vector.broadcast %mul3A_436 : i32 to vector<16xi32>
        %mul3A_438 = arith.muli %iota3A, %mul3A_437 : vector<16xi32>
        %add3A_439 = vector.broadcast %add3A_435 : i32 to vector<16xi32>
        %add3A_440 = arith.addi %mul3A_438, %add3A_439 : vector<16xi32>
        %add3A_441 = arith.constant 0 : i32
        %add3A_442 = vector.broadcast %add3A_441 : i32 to vector<16xi32>
        %add3A_443 = arith.addi %iota3A, %add3A_442 : vector<16xi32>
        tpu.vector_store_idx %arg10[%add3A_443, %add3A_440], %get3A_290 : memref<64x257xf32, #tpu.memory_space<vmem>>[vector<16xi32>, vector<16xi32>], vector<16xf32>,
        %add3A_444 = arith.constant 16 : i32
        %add3A_445 = vector.broadcast %add3A_444 : i32 to vector<16xi32>
        %add3A_446 = arith.addi %iota3A, %add3A_445 : vector<16xi32>
        tpu.vector_store_idx %arg10[%add3A_446, %add3A_440], %get3A_293 : memref<64x257xf32, #tpu.memory_space<vmem>>[vector<16xi32>, vector<16xi32>], vector<16xf32>,
        %add3A_447 = arith.constant 32 : i32
        %add3A_448 = vector.broadcast %add3A_447 : i32 to vector<16xi32>
        %add3A_449 = arith.addi %iota3A, %add3A_448 : vector<16xi32>
        tpu.vector_store_idx %arg10[%add3A_449, %add3A_440], %get3A_296 : memref<64x257xf32, #tpu.memory_space<vmem>>[vector<16xi32>, vector<16xi32>], vector<16xf32>,
        %add3A_450 = arith.constant 48 : i32
        %add3A_451 = vector.broadcast %add3A_450 : i32 to vector<16xi32>
        %add3A_452 = arith.addi %iota3A, %add3A_451 : vector<16xi32>
        tpu.vector_store_idx %arg10[%add3A_452, %add3A_440], %get3A_299 : memref<64x257xf32, #tpu.memory_space<vmem>>[vector<16xi32>, vector<16xi32>], vector<16xf32>,
        %mul3A_453 = arith.constant 8 : i32
        %mul3A_454 = arith.muli %scan3A_220, %mul3A_453 : i32
        %add3A_455 = arith.constant 5 : i32
        %add3A_456 = arith.addi %mul3A_454, %add3A_455 : i32
        %mul3A_457 = arith.constant 0 : i32
        %mul3A_458 = vector.broadcast %mul3A_457 : i32 to vector<16xi32>
        %mul3A_459 = arith.muli %iota3A, %mul3A_458 : vector<16xi32>
        %add3A_460 = vector.broadcast %add3A_456 : i32 to vector<16xi32>
        %add3A_461 = arith.addi %mul3A_459, %add3A_460 : vector<16xi32>
        %add3A_462 = arith.constant 0 : i32
        %add3A_463 = vector.broadcast %add3A_462 : i32 to vector<16xi32>
        %add3A_464 = arith.addi %iota3A, %add3A_463 : vector<16xi32>
        tpu.vector_store_idx %arg10[%add3A_464, %add3A_461], %get3A_306 : memref<64x257xf32, #tpu.memory_space<vmem>>[vector<16xi32>, vector<16xi32>], vector<16xf32>,
        %add3A_465 = arith.constant 16 : i32
        %add3A_466 = vector.broadcast %add3A_465 : i32 to vector<16xi32>
        %add3A_467 = arith.addi %iota3A, %add3A_466 : vector<16xi32>
        tpu.vector_store_idx %arg10[%add3A_467, %add3A_461], %get3A_309 : memref<64x257xf32, #tpu.memory_space<vmem>>[vector<16xi32>, vector<16xi32>], vector<16xf32>,
        %add3A_468 = arith.constant 32 : i32
        %add3A_469 = vector.broadcast %add3A_468 : i32 to vector<16xi32>
        %add3A_470 = arith.addi %iota3A, %add3A_469 : vector<16xi32>
        tpu.vector_store_idx %arg10[%add3A_470, %add3A_461], %get3A_312 : memref<64x257xf32, #tpu.memory_space<vmem>>[vector<16xi32>, vector<16xi32>], vector<16xf32>,
        %add3A_471 = arith.constant 48 : i32
        %add3A_472 = vector.broadcast %add3A_471 : i32 to vector<16xi32>
        %add3A_473 = arith.addi %iota3A, %add3A_472 : vector<16xi32>
        tpu.vector_store_idx %arg10[%add3A_473, %add3A_461], %get3A_315 : memref<64x257xf32, #tpu.memory_space<vmem>>[vector<16xi32>, vector<16xi32>], vector<16xf32>,
        %mul3A_474 = arith.constant 8 : i32
        %mul3A_475 = arith.muli %scan3A_220, %mul3A_474 : i32
        %add3A_476 = arith.constant 6 : i32
        %add3A_477 = arith.addi %mul3A_475, %add3A_476 : i32
        %mul3A_478 = arith.constant 0 : i32
        %mul3A_479 = vector.broadcast %mul3A_478 : i32 to vector<16xi32>
        %mul3A_480 = arith.muli %iota3A, %mul3A_479 : vector<16xi32>
        %add3A_481 = vector.broadcast %add3A_477 : i32 to vector<16xi32>
        %add3A_482 = arith.addi %mul3A_480, %add3A_481 : vector<16xi32>
        %add3A_483 = arith.constant 0 : i32
        %add3A_484 = vector.broadcast %add3A_483 : i32 to vector<16xi32>
        %add3A_485 = arith.addi %iota3A, %add3A_484 : vector<16xi32>
        tpu.vector_store_idx %arg10[%add3A_485, %add3A_482], %get3A_322 : memref<64x257xf32, #tpu.memory_space<vmem>>[vector<16xi32>, vector<16xi32>], vector<16xf32>,
        %add3A_486 = arith.constant 16 : i32
        %add3A_487 = vector.broadcast %add3A_486 : i32 to vector<16xi32>
        %add3A_488 = arith.addi %iota3A, %add3A_487 : vector<16xi32>
        tpu.vector_store_idx %arg10[%add3A_488, %add3A_482], %get3A_325 : memref<64x257xf32, #tpu.memory_space<vmem>>[vector<16xi32>, vector<16xi32>], vector<16xf32>,
        %add3A_489 = arith.constant 32 : i32
        %add3A_490 = vector.broadcast %add3A_489 : i32 to vector<16xi32>
        %add3A_491 = arith.addi %iota3A, %add3A_490 : vector<16xi32>
        tpu.vector_store_idx %arg10[%add3A_491, %add3A_482], %get3A_328 : memref<64x257xf32, #tpu.memory_space<vmem>>[vector<16xi32>, vector<16xi32>], vector<16xf32>,
        %add3A_492 = arith.constant 48 : i32
        %add3A_493 = vector.broadcast %add3A_492 : i32 to vector<16xi32>
        %add3A_494 = arith.addi %iota3A, %add3A_493 : vector<16xi32>
        tpu.vector_store_idx %arg10[%add3A_494, %add3A_482], %get3A_331 : memref<64x257xf32, #tpu.memory_space<vmem>>[vector<16xi32>, vector<16xi32>], vector<16xf32>,
        %mul3A_495 = arith.constant 8 : i32
        %mul3A_496 = arith.muli %scan3A_220, %mul3A_495 : i32
        %add3A_497 = arith.constant 7 : i32
        %add3A_498 = arith.addi %mul3A_496, %add3A_497 : i32
        %mul3A_499 = arith.constant 0 : i32
        %mul3A_500 = vector.broadcast %mul3A_499 : i32 to vector<16xi32>
        %mul3A_501 = arith.muli %iota3A, %mul3A_500 : vector<16xi32>
        %add3A_502 = vector.broadcast %add3A_498 : i32 to vector<16xi32>
        %add3A_503 = arith.addi %mul3A_501, %add3A_502 : vector<16xi32>
        %add3A_504 = arith.constant 0 : i32
        %add3A_505 = vector.broadcast %add3A_504 : i32 to vector<16xi32>
        %add3A_506 = arith.addi %iota3A, %add3A_505 : vector<16xi32>
        tpu.vector_store_idx %arg10[%add3A_506, %add3A_503], %get3A_338 : memref<64x257xf32, #tpu.memory_space<vmem>>[vector<16xi32>, vector<16xi32>], vector<16xf32>,
        %add3A_507 = arith.constant 16 : i32
        %add3A_508 = vector.broadcast %add3A_507 : i32 to vector<16xi32>
        %add3A_509 = arith.addi %iota3A, %add3A_508 : vector<16xi32>
        tpu.vector_store_idx %arg10[%add3A_509, %add3A_503], %get3A_341 : memref<64x257xf32, #tpu.memory_space<vmem>>[vector<16xi32>, vector<16xi32>], vector<16xf32>,
        %add3A_510 = arith.constant 32 : i32
        %add3A_511 = vector.broadcast %add3A_510 : i32 to vector<16xi32>
        %add3A_512 = arith.addi %iota3A, %add3A_511 : vector<16xi32>
        tpu.vector_store_idx %arg10[%add3A_512, %add3A_503], %get3A_344 : memref<64x257xf32, #tpu.memory_space<vmem>>[vector<16xi32>, vector<16xi32>], vector<16xf32>,
        %add3A_513 = arith.constant 48 : i32
        %add3A_514 = vector.broadcast %add3A_513 : i32 to vector<16xi32>
        %add3A_515 = arith.addi %iota3A, %add3A_514 : vector<16xi32>
        tpu.vector_store_idx %arg10[%add3A_515, %add3A_503], %get3A_347 : memref<64x257xf32, #tpu.memory_space<vmem>>[vector<16xi32>, vector<16xi32>], vector<16xf32>,
      }
      %scan3A_164 = arith.constant 32 : i32
      %jit3A_165 = arith.constant 2 : i32
      %div3A_166 = arith.divsi %add3A_136, %jit3A_165 : i32
      %sign3A_167 = arith.constant 0 : i32
      %sign3A_168 = arith.cmpi sgt, %add3A_136, %sign3A_167 : i32
      %sign3A_169 = arith.extui %sign3A_168 : i1 to i32
      %sign3A_170 = arith.constant 0 : i32
      %sign3A_171 = arith.cmpi slt, %add3A_136, %sign3A_170 : i32
      %sign3A_172 = arith.extui %sign3A_171 : i1 to i32
      %sign3A_173 = arith.subi %sign3A_169, %sign3A_172 : i32
      %sign3A_174 = arith.constant 0 : i32
      %sign3A_175 = arith.cmpi sgt, %jit3A_165, %sign3A_174 : i32
      %sign3A_176 = arith.extui %sign3A_175 : i1 to i32
      %sign3A_177 = arith.constant 0 : i32
      %sign3A_178 = arith.cmpi slt, %jit3A_165, %sign3A_177 : i32
      %sign3A_179 = arith.extui %sign3A_178 : i1 to i32
      %sign3A_180 = arith.subi %sign3A_176, %sign3A_179 : i32
      %ne3A_181 = arith.cmpi ne, %sign3A_173, %sign3A_180 : i32
      %rem3A_182 = arith.remsi %add3A_136, %jit3A_165 : i32
      %ne3A_183 = arith.constant 0 : i32
      %ne3A_184 = arith.cmpi ne, %rem3A_182, %ne3A_183 : i32
      %and3A_185 = arith.andi %ne3A_181, %ne3A_184 : i1
      %sub3A_186 = arith.constant 1 : i32
      %sub3A_187 = arith.subi %div3A_166, %sub3A_186 : i32
      %select_n3A_188 = arith.select %and3A_185, %sub3A_187, %div3A_166 : i32
      %jit3A_189 = arith.constant 2 : i32
      %eq3A_190 = arith.constant 0 : i32
      %eq3A_191 = arith.cmpi eq, %jit3A_189, %eq3A_190 : i32
      %jit3A_192 = arith.constant 1 : i32
      %select_n3A_193 = arith.select %eq3A_191, %jit3A_192, %jit3A_189 : i32
      %rem3A_194 = arith.remsi %add3A_136, %select_n3A_193 : i32
      %ne3A_195 = arith.constant 0 : i32
      %ne3A_196 = arith.cmpi ne, %rem3A_194, %ne3A_195 : i32
      %lt3A_197 = arith.constant 0 : i32
      %lt3A_198 = arith.cmpi slt, %rem3A_194, %lt3A_197 : i32
      %lt3A_199 = arith.constant 0 : i32
      %lt3A_200 = arith.cmpi slt, %select_n3A_193, %lt3A_199 : i32
      %ne3A_201 = arith.xori %lt3A_198, %lt3A_200 : i1
      %and3A_202 = arith.andi %ne3A_201, %ne3A_196 : i1
      %add3A_203 = arith.addi %rem3A_194, %select_n3A_193 : i32
      %select_n3A_204 = arith.select %and3A_202, %add3A_203, %rem3A_194 : i32
      %mul3A_205 = arith.constant 256 : i32
      %mul3A_206 = arith.muli %select_n3A_204, %mul3A_205 : i32
      %add3A_207 = arith.addi %mul3A_2, %mul3A_206 : i32
      %dma_start3A_208 = arith.constant 0 : i32
      %dma_start3A_209 = arith.constant 0 : i32
      %dma_start3A_210 = tpu.memref_slice %arg10[%dma_start3A_208, %dma_start3A_209] : memref<64x257xf32, #tpu.memory_space<vmem>> -> memref<64x256xf32, #tpu.memory_space<vmem>>
      %dma_start3A_211 = arith.constant 0 : i32
      %dma_start3A_212 = tpu.memref_slice %arg4[%select_n3A_188, %dma_start3A_211, %add3A_207] : memref<200x64x16384xf32, #tpu.memory_space<hbm>> -> memref<1x64x256xf32, #tpu.memory_space<hbm>>
      %dma_start3A_213 = tpu.memref_squeeze %dma_start3A_212 : memref<1x64x256xf32, #tpu.memory_space<hbm>> -> memref<64x256xf32, #tpu.memory_space<hbm>>
      %dma_start3A_214 = arith.constant 0 : i32
      %dma_start3A_215 = tpu.memref_slice %arg4[%select_n3A_188, %dma_start3A_214, %add3A_207] : memref<200x64x16384xf32, #tpu.memory_space<hbm>> -> memref<1x64x256xf32, #tpu.memory_space<hbm>>
      %dma_start3A_216 = tpu.memref_squeeze %dma_start3A_215 : memref<1x64x256xf32, #tpu.memory_space<hbm>> -> memref<64x256xf32, #tpu.memory_space<hbm>>
      %dma_start3A_217 = arith.constant 0 : i32
      %dma_start3A_218 = arith.constant 0 : i32
      %dma_start3A_219 = tpu.memref_slice %arg10[%dma_start3A_217, %dma_start3A_218] : memref<64x257xf32, #tpu.memory_space<vmem>> -> memref<64x256xf32, #tpu.memory_space<vmem>>
      tpu.enqueue_dma source(%dma_start3A_219 : memref<64x256xf32, #tpu.memory_space<vmem>>) target(%dma_start3A_216 : memref<64x256xf32, #tpu.memory_space<hbm>>) target_semaphore(%arg16 : memref<!tpu.dma_semaphore, #tpu.memory_space<semaphore_mem>>)
    }
    %scan3A_29 = arith.constant 200 : i32
    %add3A_30 = arith.constant 0 : i32
    %add3A_31 = arith.addi %mul3A_2, %add3A_30 : i32
    %dma_wait3A_32 = arith.constant 199 : i32
    %dma_wait3A_33 = arith.constant 0 : i32
    %dma_wait3A_34 = arith.constant 0 : i32
    %dma_wait3A_35 = tpu.memref_slice %arg9[%dma_wait3A_33, %dma_wait3A_34] : memref<64x257xf32, #tpu.memory_space<vmem>> -> memref<64x256xf32, #tpu.memory_space<vmem>>
    %dma_wait3A_36 = arith.constant 0 : i32
    %dma_wait3A_37 = tpu.memref_slice %arg4[%dma_wait3A_32, %dma_wait3A_36, %add3A_31] : memref<200x64x16384xf32, #tpu.memory_space<hbm>> -> memref<1x64x256xf32, #tpu.memory_space<hbm>>
    %dma_wait3A_38 = tpu.memref_squeeze %dma_wait3A_37 : memref<1x64x256xf32, #tpu.memory_space<hbm>> -> memref<64x256xf32, #tpu.memory_space<hbm>>
    %dma_wait3A_39 = arith.constant 0 : i32
    %dma_wait3A_40 = tpu.memref_slice %arg4[%dma_wait3A_32, %dma_wait3A_39, %add3A_31] : memref<200x64x16384xf32, #tpu.memory_space<hbm>> -> memref<1x64x256xf32, #tpu.memory_space<hbm>>
    %dma_wait3A_41 = tpu.memref_squeeze %dma_wait3A_40 : memref<1x64x256xf32, #tpu.memory_space<hbm>> -> memref<64x256xf32, #tpu.memory_space<hbm>>
    %dma_wait3A_42 = arith.constant 0 : i32
    %dma_wait3A_43 = arith.constant 0 : i32
    %dma_wait3A_44 = tpu.memref_slice %arg9[%dma_wait3A_42, %dma_wait3A_43] : memref<64x257xf32, #tpu.memory_space<vmem>> -> memref<64x256xf32, #tpu.memory_space<vmem>>
    tpu.wait_dma2 semaphore(%arg15 : memref<!tpu.dma_semaphore, #tpu.memory_space<semaphore_mem>>) src(%dma_wait3A_44 : memref<64x256xf32, #tpu.memory_space<vmem>>) dst(%dma_wait3A_41 : memref<64x256xf32, #tpu.memory_space<hbm>>)
    %add3A_45 = arith.constant 256 : i32
    %add3A_46 = arith.addi %mul3A_2, %add3A_45 : i32
    %dma_wait3A_47 = arith.constant 199 : i32
    %dma_wait3A_48 = arith.constant 0 : i32
    %dma_wait3A_49 = arith.constant 0 : i32
    %dma_wait3A_50 = tpu.memref_slice %arg10[%dma_wait3A_48, %dma_wait3A_49] : memref<64x257xf32, #tpu.memory_space<vmem>> -> memref<64x256xf32, #tpu.memory_space<vmem>>
    %dma_wait3A_51 = arith.constant 0 : i32
    %dma_wait3A_52 = tpu.memref_slice %arg4[%dma_wait3A_47, %dma_wait3A_51, %add3A_46] : memref<200x64x16384xf32, #tpu.memory_space<hbm>> -> memref<1x64x256xf32, #tpu.memory_space<hbm>>
    %dma_wait3A_53 = tpu.memref_squeeze %dma_wait3A_52 : memref<1x64x256xf32, #tpu.memory_space<hbm>> -> memref<64x256xf32, #tpu.memory_space<hbm>>
    %dma_wait3A_54 = arith.constant 0 : i32
    %dma_wait3A_55 = tpu.memref_slice %arg4[%dma_wait3A_47, %dma_wait3A_54, %add3A_46] : memref<200x64x16384xf32, #tpu.memory_space<hbm>> -> memref<1x64x256xf32, #tpu.memory_space<hbm>>
    %dma_wait3A_56 = tpu.memref_squeeze %dma_wait3A_55 : memref<1x64x256xf32, #tpu.memory_space<hbm>> -> memref<64x256xf32, #tpu.memory_space<hbm>>
    %dma_wait3A_57 = arith.constant 0 : i32
    %dma_wait3A_58 = arith.constant 0 : i32
    %dma_wait3A_59 = tpu.memref_slice %arg10[%dma_wait3A_57, %dma_wait3A_58] : memref<64x257xf32, #tpu.memory_space<vmem>> -> memref<64x256xf32, #tpu.memory_space<vmem>>
    tpu.wait_dma2 semaphore(%arg16 : memref<!tpu.dma_semaphore, #tpu.memory_space<semaphore_mem>>) src(%dma_wait3A_59 : memref<64x256xf32, #tpu.memory_space<vmem>>) dst(%dma_wait3A_56 : memref<64x256xf32, #tpu.memory_space<hbm>>)
    return
  }
}

</mosaic_0001>

<sc_bundles>
// kernel: _gather_t.3.cloned.1.call-start
scs
__scs_entry_jumppad:
0x0: {  	(pc) =	sbr.rel $0x88, $3  }
0x1: {  	(tag) =	ssettag $0x0;
	lr =	simm.s32 $0x1  }
0x2: {  	[smem:$0x3F9F] =	sst lr;
	_ =	strace $0xD0000000  }
0x3: {  	_ = 	snop  }
0x4: {  	_ = 	snop  }
0x5: {  	_ = 	snop  }
0x6: {  	_ = 	snop  }
0x7: {  	_ = 	snop  }
__scs_overlays_trampoline_lowered:
0x8: {  	[smem:$0x3FAE] =	sst s0  }
0x9: {  	[smem:$0x3FAF] =	sst s1  }
0xa: {  	[smem:$0x3FB0] =	sst s2  }
0xb: {  	[smem:$0x3FB1] =	sst s3  }
0xc: {  	[smem:$0x3FB2] =	sst s4  }
0xd: {  	[smem:$0x3FB3] =	sst s5  }
0xe: {  	[smem:$0x3FB4] =	sst s6  }
0xf: {  	[smem:$0x3FB5] =	sst s7  }
0x10: {  	[smem:$0x3FB6] =	sst s8  }
0x11: {  	[smem:$0x3FB7] =	sst s9;
	s0 =	simm.s32 @!p0 $0x0  }
0x12: {  	s1 =	sld [smem:$0x3F9D];
	s0 =	simm.s32 @p0 $0x1  }
0x13: {  	[smem:$0x3FB8] =	sst s0;
	s0 =	simm.s32 @!p1 $0x0  }
0x14: {  	s2 =	sld [smem:$0x3F9C];
	s0 =	simm.s32 @p1 $0x1  }
0x15: {  	[smem:$0x3FB9] =	sst s0;
	s0 =	simm.s32 @!p2 $0x0  }
0x16: {  	s3 =	sld [smem:$0x3FDB];
	s0 =	simm.s32 @p2 $0x1  }
0x17: {  	s4 =	simm.s32 $0x1BF5;
	[smem:$0x3FBB] =	sst s0  }
0x18: {  	s0 =	sld [smem:$0x3F9E];
	_ =	swait.ge [sflag:s4], $0x0  }
0x19: {  	s7 =	sld [smem:$0x3F9F]  }
0x1a: {  	s8 =	sadd.s32 $0xFFFFE003, lr  }
0x1b: {  	s9 =	sadd.s32 $0xFFFFFEF7, lr;
	s5 =	simm.s32 $0xFFFFFFFF;
	p2 =	slt.u32 s8, $0xFFFFF086  }
0x1c: {  	p1 =	slt.u32 s9, $0xF7A;
	s5 =	simm.s32 @!p2 $0x0  }
0x1d: {  	s5 =	simm.s32 @p1 $0x1;
	p0 =	seq.s32 s7, s2  }
0x1e: {  	s7 =	smul.u32 @!p0 $0xF7A, s2;
	p2 =	seq.s32 @!p0 s5, $0x0  }
0x1f: {  	s9 =	smul.u32 $0xF7A, s1;
	s8 =	simm.s32 @!p0 $0x1BF5;
	p2 =	por !p2, p0  }
0x20: {  	[sflag:s8] =	ssyncset.s32 @!p0 $0xFFFFF086;
	s6 =	sadd.s32 @!p0 s3, s7;
	s7 =	simm.s32 @!p0 $0x108  }
0x21: {  	s3 =	sadd.s32 s3, s9;
	s6 =	sadd.s32 @!p0 $0x88, s6;
	s7 =	simm.s32 @p2 $0x1082  }
0x22: {  	[simem:s7], [sflag:s8] =	dma.local @!p0 [hbm:s6], $0xF7A  }
0x23: {  	s9 =	sor.u32 $0xD0000000, s2;
	s6 =	simm.s32 $0x108;
	_ =	swait.ge @!p0 [sflag:s8], $0x0  }
0x24: {  	s3 =	sadd.s32 $0x88, s3;
	s6 =	simm.s32 @!p1 $0x1082;
	[sflag:s4] =	ssyncset.s32 $0xFFFFF086  }
0x25: {  	[simem:s6], [sflag:s4] =	dma.local [hbm:s3], $0xF7A  }
0x26: {  	[smem:$0x3F9F] =	sst s1;
	(tag) =	ssettag s2;
	_ =	strace s9  }
0x27: {  	s1 =	sld [smem:$0x3FAF]  }
0x28: {  	s2 =	sld [smem:$0x3FB0]  }
0x29: {  	s4 =	sld [smem:$0x3FB2]  }
0x2a: {  	p0 =	seq.s32 s5, $0x0;
	s5 =	sld [smem:$0x3FB3]  }
0x2b: {  	s6 =	sld [smem:$0x3FB4]  }
0x2c: {  	s7 =	sld [smem:$0x3FB5]  }
0x2d: {  	s3 =	simm.s32 $0x108;
	s8 =	sld [smem:$0x3FB6]  }
0x2e: {  	s3 =	simm.s32 @!p0 $0x1082;
	s9 =	sld [smem:$0x3FB7]  }
0x2f: {  	lr =	sadd.s32 s0, s3;
	s0 =	sld [smem:$0x3FAE]  }
0x30: {  	s3 =	sld [smem:$0x3FB1]  }
0x31: {  	[smem:$0x3FBA] =	sst s10  }
0x32: {  	s10 =	sld [smem:$0x3FB8];
	_ =	sdelay $0x3  }
0x33: {  	p0 =	seq.s32 s10, $0x1;
	s10 =	sld [smem:$0x3FBA];
	_ =	sdelay $0x3  }
0x34: {  	[smem:$0x3FBA] =	sst s10  }
0x35: {  	s10 =	sld [smem:$0x3FB9];
	_ =	sdelay $0x3  }
0x36: {  	p1 =	seq.s32 s10, $0x1;
	s10 =	sld [smem:$0x3FBA];
	_ =	sdelay $0x3  }
0x37: {  	[smem:$0x3FBA] =	sst s10  }
0x38: {  	s10 =	sld [smem:$0x3FBB]  }
0x39: {  	_ = 	snop;
	(pc) =	sbr.ind lr, $3  }
0x3a: {  	_ = 	snop  }
0x3b: {  	_ = 	snop  }
0x3c: {  	p2 =	seq.s32 s10, $0x1;
	s10 =	sld [smem:$0x3FBA]  }
0x3d: {  	_ =	shalt  }
0x3e: {  	_ =	shalt  }
0x3f: {  	_ =	shalt  }
0x40: {  	_ =	shalt  }
0x41: {  	_ =	shalt  }
0x42: {  	_ =	shalt  }
0x43: {  	_ =	shalt  }
0x44: {  	_ =	shalt  }
0x45: {  	_ =	shalt  }
0x46: {  	_ =	shalt  }
0x47: {  	_ =	shalt  }
0x48: {  	_ =	shalt  }
0x49: {  	_ =	shalt  }
0x4a: {  	_ =	shalt  }
0x4b: {  	_ =	shalt  }
0x4c: {  	_ =	shalt  }
0x4d: {  	_ =	shalt  }
0x4e: {  	_ =	shalt  }
0x4f: {  	_ =	shalt  }
0x50: {  	_ =	shalt  }
0x51: {  	_ =	shalt  }
0x52: {  	_ =	shalt  }
0x53: {  	_ =	shalt  }
0x54: {  	_ =	shalt  }
0x55: {  	_ =	shalt  }
0x56: {  	_ =	shalt  }
0x57: {  	_ =	shalt  }
0x58: {  	_ =	shalt  }
0x59: {  	_ =	shalt  }
0x5a: {  	_ =	shalt  }
0x5b: {  	_ =	shalt  }
0x5c: {  	_ =	shalt  }
0x5d: {  	_ =	shalt  }
0x5e: {  	_ =	shalt  }
0x5f: {  	_ =	shalt  }
0x60: {  	_ =	shalt  }
0x61: {  	_ =	shalt  }
0x62: {  	_ =	shalt  }
0x63: {  	_ =	shalt  }
0x64: {  	_ =	shalt  }
0x65: {  	_ =	shalt  }
0x66: {  	_ =	shalt  }
0x67: {  	_ =	shalt  }
0x68: {  	_ =	shalt  }
0x69: {  	_ =	shalt  }
0x6a: {  	_ =	shalt  }
0x6b: {  	_ =	shalt  }
0x6c: {  	_ =	shalt  }
0x6d: {  	_ =	shalt  }
0x6e: {  	_ =	shalt  }
0x6f: {  	_ =	shalt  }
0x70: {  	_ =	shalt  }
0x71: {  	_ =	shalt  }
0x72: {  	_ =	shalt  }
0x73: {  	_ =	shalt  }
0x74: {  	_ =	shalt  }
0x75: {  	_ =	shalt  }
0x76: {  	_ =	shalt  }
0x77: {  	_ =	shalt  }
0x78: {  	_ =	shalt  }
0x79: {  	_ =	shalt  }
0x7a: {  	_ =	shalt  }
0x7b: {  	_ =	shalt  }
0x7c: {  	_ =	shalt  }
0x7d: {  	_ =	shalt  }
0x7e: {  	_ =	shalt  }
0x7f: {  	_ =	shalt  }
0x80: {  	_ =	shalt  }
0x81: {  	_ =	shalt  }
0x82: {  	_ =	shalt  }
0x83: {  	_ =	shalt  }
0x84: {  	_ =	shalt  }
0x85: {  	_ =	shalt  }
0x86: {  	_ =	shalt  }
0x87: {  	_ =	shalt  }
.Lfunc_end0:
.L_simem_size_0:
called_computation_lowered:
.L_overlay_start_0:
0x88: {  	s2 =	sld [smem:$0x3FD9]  }
0x89: {  	s3 =	sld [smem:$0x3FFE];
	_ =	sdelay $0x1  }
0x8a: {  	s1 =	srdreg.scid  }
0x8b: {  	s0 =	sand.u32 $0x1, s1  }
0x8c: {  	s16 =	sshll.u32 s0, $0xA;
	s2 =	sadd.s32 s3, s2  }
0x8d: {  	s2 =	sadd.s32 s2, s16  }
0x8e: {  	[smem:$0x3FC6] =	sst s2  }
0x8f: {  	_ = 	snop  }
0x90: {  	(tm) =	ssettm $0x1  }
0x91: {  	s17 =	sld [smem:$0x3FFB];
	_ =	sdelay $0x3  }
0x92: {  	_ =	strace s17  }
0x93: {  	s2 =	sld [smem:$0x3FFC];
	_ =	sdelay $0x3  }
0x94: {  	_ =	strace s2  }
0x95: {  	s2 =	sld [smem:$0x3FFD];
	_ =	sdelay $0x3  }
0x96: {  	_ =	strace s2  }
0x97: {  	_ =	strace $0x8FFFFFFF  }
0x98: {  	s18 =	sld [smem:$0x3FDB];
	_ =	sdelay $0x1  }
0x99: {  	s19 =	simm.s32 $_scs_section_size  }
0x9a: {  	s4 =	simm.s32 $_size__tile_overlayer_lowered;
	s5 =	simm.s32 $_tile_overlayer_lowered  }
0x9b: {  	s22 =	simm.s32 $0x1BFF;
	s21 =	sshll.u32 s5, $0x1;
	s2 =	sadd.s32 s19, s18  }
0x9c: {  	s6 =	simm.s32 $0x0;
	s20 =	sshll.u32 s4, $0x1;
	s4 =	sadd.s32 s21, s2  }
0x9d: {  	[timem:s6], [sflag:s22] =	dma.local [hbm:s4], s20  }
0x9e: {  	_ =	swait.ge [sflag:s22], s20  }
0x9f: {  	s3 =	ssub.s32 $0x0, s20;
	[sflag:s22] =	ssyncset.done $0x0  }
0xa0: {  	[sflag:s22] =	ssyncadd.s32 s3;
	_ =	sdelay $0x1  }
0xa1: {  	s23 =	simm.s32 $0x1B8B  }
0xa2: {  	_ =	swait.ge [sflag:s23], $0x1  }
0xa3: {  	[sflag:s23] =	ssyncset.done $0x0  }
0xa4: {  	s25 =	simm.s32 $0x1B8E;
	s24 =	sld [smem:$0x3FFE];
	[sflag:s23] =	ssyncadd.s32 $0xFFFFFFFF  }
0xa5: {  	s26 =	simm.s32 $execute0_lowered;
	[smem:$0x3FD2] =	sst s25  }
0xa6: {  	s4 =	sshll.u32 s26, $0x1;
	_ =	strace $0x80000046;
	[dreg:$0x1] =	wrdreg $0xFFFFFFFF  }
0xa7: {  	s28 =	simm.s32 $_size_execute0_lowered;
	s2 =	sadd.s32 s2, s4;
	[dreg:$0x0] =	wrdreg $0x0  }
0xa8: {  	s4 =	sshll.u32 s28, $0x1;
	[dreg:$0x2] =	wrdreg s2  }
0xa9: {  	[dreg:$0x3] =	wrdreg s4  }
0xaa: {  	[dreg:$0x4] =	wrdreg $0xC0  }
0xab: {  	_ =	task [dreg:s6], $0x5FFFF  }
0xac: {  	[dreg:$0x1] =	wrdreg $0xFFFFFFFF  }
0xad: {  	[dreg:$0x0] =	wrdreg $0x60  }
0xae: {  	[dreg:$0x2] =	wrdreg s24  }
0xaf: {  	[dreg:$0x3] =	wrdreg $0x9  }
0xb0: {  	_ =	task.clear_ibuf [dreg:s6], $0x4FFFF;
	_ =	strace $0x90000046  }
0xb1: {  	s29 =	simm.s32 $0x9;
	_ =	strace $0x80000048  }
0xb2: {  	_ =	swait.ge [sflag:s29], $0x1  }
0xb3: {  	[sflag:s29] =	ssyncadd.s32 $0xFFFFFFFF  }
0xb4: {  	_ =	strace $0x90000048  }
0xb5: {  	_ =	sfence  }
0xb6: {  	s30 =	sld [smem:$0x0];
	_ =	sdelay $0x2  }
0xb7: {  	s31 =	sshll.u32 s1, $0xD;
	s1 =	sshrl.u32 s1, $0x2  }
0xb8: {  	s3 =	sand.u32 $0x4000, s31;
	s1 =	sadd.s32 s1, s30  }
0xb9: {  	s0 =	sor.u32 s3, s0;
	s1 =	sshll.u32 s1, $0x11  }
0xba: {  	s0 =	sor.u32 s1, s0  }
0xbb: {  	s0 =	sadd.s32 $0x8F2B, s0  }
0xbc: {  	[sflag:s0] =	ssyncadd.remote.s32 $0x1  }
0xbd: {  	_ =	sfence.sel $0xFFFF  }
0xbe: {  	[dreg:$0x0] =	wrdreg $0xFFFFFFFF;
	(pc) =	sbr.abs _section_cstart, $3  }
0xbf: {  	[dreg:$0x1] =	wrdreg $0xFFFFFFFF  }
0xc0: {  	_ =	task.clear_ibuf [dreg:s6], $0x2FFFF;
	_ =	strace $0x9FFFFFFF  }
0xc1: {  	(tm) =	ssettm $0x7FFFFFFF  }
tec
execute0_lowered:
.L_overlay_start_1:
0x0: {  	(tag) =	ssettag $0x1  }
0x1: {  	v0 =	vlaneseq.u32  }
0x2: {  	s7 =	rddreg [dreg:$0x0];
	s2 =	simm.s32 $0x0;
	v0 =	vmul.u32 $0x108, v0  }
0x3: {  	[smem:$0x7FF] =	sst s2  }
0x4: {  	s0 =	rddreg [dreg:$0x1];
	_ =	strace $0x80000047;
	v3 =	vadd.s32 $0x1080, v0;
	[tilespmem:$0x1FFF0] =	vst v0  }
0x5: {  	v4 =	vadd.s32 $0x2100, v0;
	[tilespmem:$0x1FE00] =	vst v3  }
0x6: {  	v6 =	vadd.s32 $0x3180, v0;
	[tilespmem:$0x1FE10] =	vst v4  }
0x7: {  	v8 =	vor.u32 $0x1, v0;
	[tilespmem:$0x1FE20] =	vst v6  }
0x8: {  	v5 =	vadd.s32 $0x1081, v0;
	[tilespmem:$0x1FE30] =	vst v8  }
0x9: {  	v7 =	vadd.s32 $0x2101, v0;
	[tilespmem:$0x1FE40] =	vst v5  }
0xa: {  	v9 =	vadd.s32 $0x3181, v0;
	[tilespmem:$0x1FE50] =	vst v7  }
0xb: {  	v14 =	vor.u32 $0x2, v0;
	[tilespmem:$0x1FE60] =	vst v9  }
0xc: {  	v21 =	vadd.s32 $0x1082, v0;
	[tilespmem:$0x1FE70] =	vst v14  }
0xd: {  	v26 =	vadd.s32 $0x2102, v0;
	[tilespmem:$0x1FE80] =	vst v21  }
0xe: {  	v27 =	vadd.s32 $0x3182, v0;
	[tilespmem:$0x1FE90] =	vst v26  }
0xf: {  	v28 =	vor.u32 $0x3, v0;
	[tilespmem:$0x1FEA0] =	vst v27  }
0x10: {  	v29 =	vadd.s32 $0x1083, v0;
	[tilespmem:$0x1FEB0] =	vst v28  }
0x11: {  	v30 =	vadd.s32 $0x2103, v0;
	[tilespmem:$0x1FEC0] =	vst v29  }
0x12: {  	v31 =	vadd.s32 $0x3183, v0;
	[tilespmem:$0x1FED0] =	vst v30  }
0x13: {  	v32 =	vor.u32 $0x4, v0;
	[tilespmem:$0x1FEE0] =	vst v31  }
0x14: {  	v18 =	vadd.s32 $0x1084, v0;
	[tilespmem:$0x1FEF0] =	vst v32  }
0x15: {  	v19 =	vadd.s32 $0x2104, v0;
	[tilespmem:$0x1FF00] =	vst v18  }
0x16: {  	v20 =	vadd.s32 $0x3184, v0;
	[tilespmem:$0x1FF10] =	vst v19  }
0x17: {  	v22 =	vor.u32 $0x5, v0;
	[tilespmem:$0x1FF20] =	vst v20  }
0x18: {  	v23 =	vadd.s32 $0x1085, v0;
	[tilespmem:$0x1FF30] =	vst v22  }
0x19: {  	v24 =	vadd.s32 $0x2105, v0;
	[tilespmem:$0x1FF40] =	vst v23  }
0x1a: {  	s3 =	srdreg.scid;
	s1 =	stileid.u32;
	s12 =	simm.s32 $0x100;
	v25 =	vadd.s32 $0x3185, v0;
	[tilespmem:$0x1FF50] =	vst v24  }
0x1b: {  	s13 =	simm.s32 $0x1;
	s14 =	simm.s32 $0x200;
	s15 =	simm.s32 $0x3;
	v10 =	vor.u32 $0x6, v0;
	[tilespmem:$0x1FF60] =	vst v25  }
0x1c: {  	s16 =	simm.s32 $0x2;
	s17 =	simm.s32 $0x4200;
	s18 =	simm.s32 $0x8200;
	v11 =	vadd.s32 $0x1086, v0;
	[tilespmem:$0x1FF70] =	vst v10  }
0x1d: {  	s19 =	simm.s32 $0x4;
	s20 =	simm.s32 $0xC400;
	s21 =	simm.s32 $0x5;
	v12 =	vadd.s32 $0x2106, v0;
	[tilespmem:$0x1FF80] =	vst v11  }
0x1e: {  	s22 =	simm.s32 $0x6;
	s23 =	simm.s32 $0x0;
	s5 =	sand.u32 $0x1, s3;
	v13 =	vadd.s32 $0x3186, v0;
	[tilespmem:$0x1FF90] =	vst v12  }
0x1f: {  	s31 =	sshll.u32 s1, $0xA;
	s4 =	sshll.u32 s5, $0x9;
	s8 =	ssub.s32 $0x2, s5;
	v2 =	vadd.s32 $0x3187, v0;
	[tilespmem:$0x1FFA0] =	vst v13  }
0x20: {  	s5 =	sadd.s32 $0x64400, s7;
	s3 =	sor.u32 s4, s31;
	s4 =	sadd.s32 $0x400, s7;
	v15 =	vor.u32 $0x7, v0;
	[tilespmem:$0x1FFB0] =	vst v2  }
0x21: {  	s9 =	sshrl.u32 s8, $0x1;
	s7 =	sadd.s32 $0x805600, s7;
	v16 =	vadd.s32 $0x1087, v0;
	s6 =	sshrl.u32 s3, $0x3;
	[tilespmem:$0x1FFC0] =	vst v15  }
0x22: {  	v1 =	vimm.s32 $0x0;
	vm0 =	vcmask $0x300;
	v17 =	vadd.s32 $0x2107, v0;
	s11 =	ssub.s32 s8, s9;
	s9 =	sor.u32 $0x4000, s3;
	[tilespmem:$0x1FFD0] =	vst v16;
	s6 =	sadd.s32 s4, s6  }
0x23: {  	v1 =	vsel vm0, $0x3, v1;
	s10 =	sor.u32 $0x4100, s3;
	[tilespmem:$0x1FFE0] =	vst v17;
	s11 =	smax.u32 s11, $0x1;
	s8 =	sadd.s32 $0x20, s6  }
.LBB2_1:
0x24: {  	[tilespmem:s2], [sflag:$0x1] =	stream.linear.gather [hbm4b:s6+s2], $0x100, $0x38;
	[tilespmem:$0x10600] =	vst v63  }
0x25: {  	_ = 	snop  }
0x26: {  	[tilespmem:s12], [sflag:$0x2] =	stream.linear.gather [hbm4b:s8+s2], $0x100, $0x38;
	[tilespmem:$0x10600] =	vst v63  }
0x27: {  	_ =	swait.ge [sflag:s13], $0x100  }
0x28: {  	[sflag:s13] =	ssyncset.done $0x0  }
0x29: {  	s24 =	simm.s32 $0x0;
	[sflag:s13] =	ssyncadd.s32 $0xFFFFFF00  }
0x2a: {  	[tilespmem:s14], [sflag:$0x3] =	stream.indirect.gather [hbm4b:s5+s12], $0x40, s2, s12, $0xb8;
	[tilespmem:$0x10600] =	vst v63  }
.LBB2_2:
0x2b: {  	_ =	swait.ge [sflag:s15], $0x4000  }
0x2c: {  	p0 =	seq.s32 s24, $0xC7;
	[sflag:s15] =	ssyncset.done $0x0  }
0x2d: {  	p1 =	seq.s32 @!p0 s24, $0x0;
	[sflag:s15] =	ssyncadd.s32 $0xFFFFC000  }
0x2e: {  	s25 =	sshll.u32 @!p0 s24, $0xE;
	p1 =	por p0, !p1;
	_ =	swait.ge [sflag:s16], $0x100  }
.Ltmp0:
0x2f: {  	s26 =	sadd.s32 @!p0 s9, s25;
	[sflag:s16] =	ssyncset.done $0x0;
	(pc) =	sbr.rel @!p1 .LBB2_3-.Ltmp0, $4  }
0x30: {  	s26 =	sshrl.u32 @!p0 s26, $0x3;
	[sflag:s16] =	ssyncadd.s32 $0xFFFFFF00  }
0x31: {  	[tilespmem:s17], [sflag:$0x4] =	stream.indirect.gather [hbm4b:s5+s12], $0x40, s12, s12, $0xb8;
	[tilespmem:$0x10600] =	vst v63  }
0x32: {  	s28 =	simm.s32 @!p0 $0x0;
	s26 =	sadd.s32 @!p0 s4, s26  }
0x33: {  	[tilespmem:s28], [sflag:$0x1] =	stream.linear.gather @!p0 [hbm4b:s26+s28], $0x100, $0x38;
	[tilespmem:$0x10600] =	vst v63  }
.Ltmp1:
0x34: {  	(pc) =	sbr.rel .LBB2_5-.Ltmp1, $4  }
0x35: {  	_ = 	snop  }
0x36: {  	_ =	swait.ge [sflag:s21], $0x4000  }
0x37: {  	[sflag:s21] =	ssyncset.done $0x0  }
0x38: {  	p1 =	por $0x0, $0x0;
	[sflag:s21] =	ssyncadd.s32 $0xFFFFC000  }
.LBB2_3:
0x39: {  	p1 =	por @!p0 $0x1, $0x1  }
.LBB2_5:
0x3a: {  	s26 =	simm.s32 $0x300  }
0x3b: {  	v33 =	vld [tilespmem:s26+$0xF0]  }
0x3c: {  	v34 =	vld [tilespmem:s26+$0xE0]  }
0x3d: {  	v54 =	vld [tilespmem:s26+$0xD0]  }
0x3e: {  	v55 =	vld [tilespmem:s26+$0xC0]  }
0x3f: {  	v56 =	vld [tilespmem:s26+$0xB0]  }
0x40: {  	v57 =	vld [tilespmem:s26+$0xA0]  }
0x41: {  	v58 =	vld [tilespmem:s26+$0x90]  }
0x42: {  	v59 =	vld [tilespmem:s26+$0x80]  }
0x43: {  	v60 =	vld [tilespmem:s26+$0x70]  }
0x44: {  	v42 =	vld [tilespmem:s26+$0x60]  }
0x45: {  	v43 =	vld [tilespmem:s26+$0x50]  }
0x46: {  	v44 =	vld [tilespmem:s26+$0x40]  }
0x47: {  	v45 =	vld [tilespmem:s26+$0x30]  }
0x48: {  	v46 =	vld [tilespmem:s26+$0x20]  }
0x49: {  	v47 =	vld [tilespmem:s26+$0x10]  }
0x4a: {  	v48 =	vld [tilespmem:s26+$0x0]  }
0x4b: {  	v49 =	vld [tilespmem:s26+$0xFFFFFFF0]  }
0x4c: {  	v50 =	vld [tilespmem:s26+$0xFFFFFFE0]  }
0x4d: {  	v51 =	vld [tilespmem:s26+$0xFFFFFFD0]  }
0x4e: {  	v52 =	vld [tilespmem:s26+$0xFFFFFFC0]  }
0x4f: {  	s28 =	simm.s32 $0x0;
	v53 =	vld [tilespmem:s26+$0xFFFFFFB0]  }
0x50: {  	v62 =	vld [tilespmem:s26+$0xFFFFFF00];
	[tilespmem:$0x1FDC0] =	vst v56;
	v56 =	vmov s28  }
0x51: {  	v38 =	vld [tilespmem:s26+$0xFFFFFF10];
	v56 =	vshrl.u32 v56, $0x3  }
0x52: {  	v41 =	vld [tilespmem:s26+$0xFFFFFF20];
	v56 =	vshll.u32 v56, v1  }
0x53: {  	v40 =	vld [tilespmem:s26+$0xFFFFFF30];
	[tilespmem:$0x1FDF0] =	vst v34;
	s28 =	simm.s32 $0x1;
	v56 =	vbroadcast v56, $0x0  }
0x54: {  	v39 =	vld [tilespmem:s26+$0xFFFFFF40];
	[tilespmem:$0x1FDE0] =	vst v54;
	v61 =	vmov s28  }
0x55: {  	[tilespmem:$0x1FDD0] =	vst v55;
	v54 =	vld [tilespmem:s26+$0xFFFFFFA0];
	v61 =	vshrl.u32 v61, $0x3;
	v63 =	vadd.s32 v0, v56  }
0x56: {  	[tilespmem:$0x1FDB0] =	vst v57;
	v55 =	vld [tilespmem:s26+$0xFFFFFF90];
	v61 =	vshll.u32 v61, v1;
	v36 =	vadd.s32 v3, v56  }
0x57: {  	[tilespmem:$0x1FDA0] =	vst v58;
	v57 =	vld [tilespmem:s26+$0xFFFFFF80];
	s28 =	simm.s32 $0x2;
	v61 =	vbroadcast v61, $0x0;
	v35 =	vadd.s32 v4, v56  }
0x58: {  	[tilespmem:$0x1FD90] =	vst v59;
	v58 =	vld [tilespmem:s26+$0xFFFFFF70];
	v34 =	vmov s28;
	v56 =	vadd.s32 v6, v56  }
0x59: {  	[tilespmem:$0x1FD80] =	vst v60;
	v59 =	vld [tilespmem:s26+$0xFFFFFF60];
	v34 =	vshrl.u32 v34, $0x3;
	v37 =	vadd.s32 v8, v61  }
0x5a: {  	v60 =	vld [tilespmem:s26+$0xFFFFFF50];
	v34 =	vshll.u32 v34, v1;
	[tilespmem:v63+s18+$0x0] =	vst.idx.msk $0xffff, v62;
	v62 =	vadd.s32 v5, v61  }
0x5b: {  	s28 =	simm.s32 $0x3;
	v34 =	vbroadcast v34, $0x0;
	[tilespmem:v36+s18+$0x0] =	vst.idx.msk $0xffff, v38;
	v36 =	vadd.s32 v7, v61  }
0x5c: {  	[tilespmem:v35+s18+$0x0] =	vst.idx.msk $0xffff, v41;
	v35 =	vadd.s32 v9, v61;
	v61 =	vmov s28  }
0x5d: {  	v63 =	vadd.s32 v14, v34;
	[tilespmem:v56+s18+$0x0] =	vst.idx.msk $0xffff, v40;
	v38 =	vshrl.u32 v61, $0x3  }
0x5e: {  	v56 =	vadd.s32 v21, v34;
	[tilespmem:v37+s18+$0x0] =	vst.idx.msk $0xffff, v39;
	v38 =	vshll.u32 v38, v1  }
0x5f: {  	s28 =	simm.s32 $0x4;
	[tilespmem:v62+s18+$0x0] =	vst.idx.msk $0xffff, v60;
	v60 =	vadd.s32 v26, v34;
	v38 =	vbroadcast v38, $0x0  }
0x60: {  	v61 =	vmov s28;
	v34 =	vadd.s32 v27, v34;
	[tilespmem:v36+s18+$0x0] =	vst.idx.msk $0xffff, v59  }
0x61: {  	v36 =	vshrl.u32 v61, $0x3;
	[tilespmem:v35+s18+$0x0] =	vst.idx.msk $0xffff, v58;
	v62 =	vadd.s32 v28, v38  }
0x62: {  	v36 =	vshll.u32 v36, v1;
	[tilespmem:v63+s18+$0x0] =	vst.idx.msk $0xffff, v57;
	v63 =	vadd.s32 v29, v38  }
0x63: {  	s28 =	simm.s32 $0x5;
	v36 =	vbroadcast v36, $0x0;
	[tilespmem:v56+s18+$0x0] =	vst.idx.msk $0xffff, v55;
	v56 =	vadd.s32 v30, v38  }
0x64: {  	v57 =	vmov s28;
	v38 =	vadd.s32 v31, v38;
	[tilespmem:v60+s18+$0x0] =	vst.idx.msk $0xffff, v54  }
0x65: {  	v39 =	vshrl.u32 v57, $0x3;
	v58 =	vadd.s32 v32, v36;
	[tilespmem:v34+s18+$0x0] =	vst.idx.msk $0xffff, v53  }
0x66: {  	v59 =	vadd.s32 v18, v36;
	v39 =	vshll.u32 v39, v1;
	[tilespmem:v62+s18+$0x0] =	vst.idx.msk $0xffff, v52  }
0x67: {  	s28 =	simm.s32 $0x6;
	v60 =	vadd.s32 v19, v36;
	v39 =	vbroadcast v39, $0x0;
	[tilespmem:v63+s18+$0x0] =	vst.idx.msk $0xffff, v51  }
0x68: {  	v61 =	vmov s28;
	v36 =	vadd.s32 v20, v36;
	[tilespmem:v56+s18+$0x0] =	vst.idx.msk $0xffff, v50  }
0x69: {  	v37 =	vshrl.u32 v61, $0x3;
	v62 =	vadd.s32 v22, v39;
	[tilespmem:v38+s18+$0x0] =	vst.idx.msk $0xffff, v49  }
0x6a: {  	v37 =	vshll.u32 v37, v1;
	v63 =	vadd.s32 v23, v39;
	[tilespmem:v58+s18+$0x0] =	vst.idx.msk $0xffff, v48  }
0x6b: {  	s28 =	simm.s32 $0x7;
	v37 =	vbroadcast v37, $0x0;
	[tilespmem:v59+s18+$0x0] =	vst.idx.msk $0xffff, v47;
	v47 =	vadd.s32 v24, v39  }
0x6c: {  	v53 =	vld [tilespmem:$0x1FD80];
	v48 =	vmov s28;
	v39 =	vadd.s32 v25, v39;
	[tilespmem:v60+s18+$0x0] =	vst.idx.msk $0xffff, v46  }
0x6d: {  	v55 =	vld [tilespmem:$0x1FD90];
	v49 =	vadd.s32 v10, v37;
	v40 =	vshrl.u32 v48, $0x3;
	[tilespmem:v36+s18+$0x0] =	vst.idx.msk $0xffff, v45  }
0x6e: {  	v57 =	vld [tilespmem:$0x1FDA0];
	v50 =	vadd.s32 v11, v37;
	v40 =	vshll.u32 v40, v1;
	[tilespmem:v62+s18+$0x0] =	vst.idx.msk $0xffff, v44  }
0x6f: {  	v51 =	vadd.s32 v12, v37;
	v59 =	vld [tilespmem:$0x1FDB0];
	v40 =	vbroadcast v40, $0x0;
	[tilespmem:v63+s18+$0x0] =	vst.idx.msk $0xffff, v43  }
0x70: {  	v52 =	vadd.s32 v13, v37;
	v60 =	vld [tilespmem:$0x1FDC0];
	[tilespmem:v47+s18+$0x0] =	vst.idx.msk $0xffff, v42  }
0x71: {  	v61 =	vld [tilespmem:$0x1FDD0];
	v54 =	vadd.s32 v15, v40;
	[tilespmem:v39+s18+$0x0] =	vst.idx.msk $0xffff, v53  }
0x72: {  	v62 =	vld [tilespmem:$0x1FDE0];
	v56 =	vadd.s32 v16, v40;
	[tilespmem:v49+s18+$0x0] =	vst.idx.msk $0xffff, v55  }
0x73: {  	v58 =	vadd.s32 v17, v40;
	v63 =	vld [tilespmem:$0x1FDF0];
	[tilespmem:v50+s18+$0x0] =	vst.idx.msk $0xffff, v57  }
0x74: {  	[tilespmem:v51+s18+$0x0] =	vst.idx.msk $0xffff, v59  }
0x75: {  	[tilespmem:v52+s18+$0x0] =	vst.idx.msk $0xffff, v60  }
0x76: {  	v14 =	vmov v22;
	[tilespmem:v54+s18+$0x0] =	vst.idx.msk $0xffff, v61  }
0x77: {  	v22 =	vmovc v5;
	v11 =	vmov v18;
	v12 =	vmov v19;
	v38 =	vadd.s32 v2, v40;
	[tilespmem:v56+s18+$0x0] =	vst.idx.msk $0xffff, v62  }
0x78: {  	v13 =	vmovc v20;
	s28 =	simm.s32 $0xF;
	v15 =	vmovc v23;
	v23 =	vmov v7;
	v16 =	vmov v25;
	v25 =	vmov v9;
	[tilespmem:v58+s18+$0x0] =	vst.idx.msk $0xffff, v63  }
.LBB2_6:
0x79: {  	_ =	sdelay $0x3  }
0x7a: {  	[tilespmem:v38+s18+$0x0] =	vst.idx.msk $0xffff, v33;
	s26 =	sadd.s32 $0x200, s26  }
0x7b: {  	v33 =	vld [tilespmem:s26+$0xF0]  }
0x7c: {  	v34 =	vld [tilespmem:s26+$0xE0]  }
0x7d: {  	v35 =	vld [tilespmem:s26+$0xD0]  }
0x7e: {  	v36 =	vld [tilespmem:s26+$0xC0]  }
0x7f: {  	v37 =	vld [tilespmem:s26+$0xB0]  }
0x80: {  	v38 =	vld [tilespmem:s26+$0xA0]  }
0x81: {  	v39 =	vld [tilespmem:s26+$0x90]  }
0x82: {  	v40 =	vld [tilespmem:s26+$0x80]  }
0x83: {  	v41 =	vld [tilespmem:s26+$0x70]  }
0x84: {  	v42 =	vld [tilespmem:s26+$0x60]  }
0x85: {  	v43 =	vld [tilespmem:s26+$0x50]  }
0x86: {  	v44 =	vld [tilespmem:s26+$0x40]  }
0x87: {  	v45 =	vld [tilespmem:s26+$0x30]  }
0x88: {  	v46 =	vld [tilespmem:s26+$0x20]  }
0x89: {  	v47 =	vld [tilespmem:s26+$0x10]  }
0x8a: {  	v48 =	vld [tilespmem:s26+$0x0]  }
0x8b: {  	v49 =	vld [tilespmem:s26+$0xFFFFFFF0]  }
0x8c: {  	v50 =	vld [tilespmem:s26+$0xFFFFFFE0]  }
0x8d: {  	v51 =	vld [tilespmem:s26+$0xFFFFFFD0]  }
0x8e: {  	s29 =	smov.u32 s28;
	v52 =	vld [tilespmem:s26+$0xFFFFFFC0]  }
0x8f: {  	v53 =	vld [tilespmem:s26+$0xFFFFFFB0];
	s30 =	sadd.s32 $0xFFFFFFF9, s29  }
0x90: {  	v54 =	vld [tilespmem:s26+$0xFFFFFFA0];
	v56 =	vmov s30  }
0x91: {  	v55 =	vld [tilespmem:s26+$0xFFFFFF90];
	v56 =	vshrl.u32 v56, $0x3  }
0x92: {  	v57 =	vld [tilespmem:s26+$0xFFFFFF80];
	v56 =	vshll.u32 v56, v1  }
0x93: {  	v58 =	vld [tilespmem:s26+$0xFFFFFF70];
	v56 =	vbroadcast v56, $0x0  }
0x94: {  	v59 =	vld [tilespmem:s26+$0xFFFFFF60]  }
0x95: {  	v62 =	vld [tilespmem:s26+$0xFFFFFF00];
	v63 =	vadd.s32 v0, v56  }
0x96: {  	v9 =	vmov v0;
	v0 =	vld [tilespmem:s26+$0xFFFFFF10];
	v2 =	vadd.s32 v3, v56  }
0x97: {  	v18 =	vmov v3;
	v19 =	vmov v4;
	s31 =	sadd.s32 $0xFFFFFFFA, s29;
	v3 =	vld [tilespmem:s26+$0xFFFFFF20];
	v4 =	vadd.s32 v4, v56  }
0x98: {  	v5 =	vld [tilespmem:s26+$0xFFFFFF30];
	v61 =	vmov s31;
	v56 =	vadd.s32 v6, v56  }
0x99: {  	v60 =	vld [tilespmem:s26+$0xFFFFFF50];
	v61 =	vshrl.u32 v61, $0x3  }
0x9a: {  	v7 =	vld [tilespmem:s26+$0xFFFFFF40];
	v61 =	vshll.u32 v61, v1;
	[tilespmem:v63+s18+$0x0] =	vst.idx.msk $0xffff, v62  }
0x9b: {  	v20 =	vmov v6;
	v61 =	vbroadcast v61, $0x0;
	[tilespmem:v2+s18+$0x0] =	vst.idx.msk $0xffff, v0  }
0x9c: {  	v10 =	vmovc v32;
	v32 =	vmovc v31;
	v31 =	vmov v30;
	v30 =	vmov v29;
	v29 =	vmov v28;
	s31 =	sadd.s32 $0xFFFFFFFB, s29;
	[tilespmem:v4+s18+$0x0] =	vst.idx.msk $0xffff, v3  }
0x9d: {  	v28 =	vmovc v27;
	v27 =	vmovc v26;
	v26 =	vmov v21;
	v6 =	vmov s31;
	v21 =	vadd.s32 v8, v61;
	[tilespmem:v56+s18+$0x0] =	vst.idx.msk $0xffff, v5;
	v5 =	vld [tilespmem:$0x1FE70]  }
0x9e: {  	v6 =	vshrl.u32 v6, $0x3  }
0x9f: {  	v6 =	vshll.u32 v6, v1;
	v62 =	vadd.s32 v22, v61  }
0xa0: {  	s31 =	sadd.s32 $0xFFFFFFFC, s29;
	v0 =	vadd.s32 v23, v61;
	v2 =	vbroadcast v6, $0x0  }
0xa1: {  	v3 =	vadd.s32 v25, v61;
	v4 =	vmov s31  }
0xa2: {  	v4 =	vshrl.u32 v4, $0x3;
	[tilespmem:v21+s18+$0x0] =	vst.idx.msk $0xffff, v7;
	v21 =	vmov v26;
	v5 =	vadd.s32 v5, v2  }
0xa3: {  	v26 =	vmov v27;
	v4 =	vshll.u32 v4, v1;
	v6 =	vadd.s32 v21, v2  }
0xa4: {  	s31 =	sadd.s32 $0xFFFFFFFD, s29;
	v27 =	vmov v28;
	[tilespmem:v62+s18+$0x0] =	vst.idx.msk $0xffff, v60;
	v7 =	vadd.s32 v26, v2;
	v4 =	vbroadcast v4, $0x0  }
0xa5: {  	v28 =	vmov v29;
	[tilespmem:v0+s18+$0x0] =	vst.idx.msk $0xffff, v59;
	v0 =	vadd.s32 v27, v2;
	v2 =	vmov s31  }
0xa6: {  	v29 =	vmov v30;
	[tilespmem:v3+s18+$0x0] =	vst.idx.msk $0xffff, v58;
	v3 =	vadd.s32 v28, v4;
	v2 =	vshrl.u32 v2, $0x3  }
0xa7: {  	v30 =	vmov v31;
	v2 =	vshll.u32 v2, v1;
	[tilespmem:v5+s18+$0x0] =	vst.idx.msk $0xffff, v57;
	v5 =	vadd.s32 v29, v4  }
0xa8: {  	v31 =	vmov v32;
	v2 =	vbroadcast v2, $0x0;
	[tilespmem:v6+s18+$0x0] =	vst.idx.msk $0xffff, v55;
	v6 =	vadd.s32 v30, v4  }
0xa9: {  	v4 =	vadd.s32 v31, v4;
	[tilespmem:v7+s18+$0x0] =	vst.idx.msk $0xffff, v54  }
0xaa: {  	[tilespmem:v0+s18+$0x0] =	vst.idx.msk $0xffff, v53;
	v0 =	vadd.s32 v10, v2  }
0xab: {  	[tilespmem:v3+s18+$0x0] =	vst.idx.msk $0xffff, v52;
	v3 =	vadd.s32 v11, v2  }
0xac: {  	[tilespmem:v5+s18+$0x0] =	vst.idx.msk $0xffff, v51;
	v5 =	vadd.s32 v12, v2  }
0xad: {  	s31 =	sadd.s32 $0xFFFFFFFE, s29;
	v2 =	vadd.s32 v13, v2;
	[tilespmem:v6+s18+$0x0] =	vst.idx.msk $0xffff, v50  }
0xae: {  	v7 =	vmov s31;
	[tilespmem:v4+s18+$0x0] =	vst.idx.msk $0xffff, v49  }
0xaf: {  	v7 =	vshrl.u32 v7, $0x3;
	[tilespmem:v0+s18+$0x0] =	vst.idx.msk $0xffff, v48  }
0xb0: {  	v7 =	vshll.u32 v7, v1;
	[tilespmem:v3+s18+$0x0] =	vst.idx.msk $0xffff, v47  }
0xb1: {  	s31 =	sadd.s32 $0xFFFFFFFF, s29;
	v7 =	vbroadcast v7, $0x0;
	[tilespmem:v5+s18+$0x0] =	vst.idx.msk $0xffff, v46  }
0xb2: {  	v6 =	vmov s31;
	[tilespmem:v2+s18+$0x0] =	vst.idx.msk $0xffff, v45;
	v2 =	vld [tilespmem:$0x1FF70]  }
0xb3: {  	v4 =	vadd.s32 v14, v7;
	v6 =	vshrl.u32 v6, $0x3  }
0xb4: {  	v0 =	vadd.s32 v15, v7;
	v6 =	vshll.u32 v6, v1  }
0xb5: {  	v3 =	vadd.s32 v24, v7;
	v6 =	vbroadcast v6, $0x0  }
0xb6: {  	v5 =	vadd.s32 v16, v7  }
0xb7: {  	v2 =	vadd.s32 v2, v6  }
0xb8: {  	[tilespmem:v4+s18+$0x0] =	vst.idx.msk $0xffff, v44;
	v4 =	vld [tilespmem:$0x1FF80]  }
0xb9: {  	[tilespmem:v0+s18+$0x0] =	vst.idx.msk $0xffff, v43;
	v0 =	vld [tilespmem:$0x1FF90]  }
0xba: {  	[tilespmem:v3+s18+$0x0] =	vst.idx.msk $0xffff, v42;
	v3 =	vld [tilespmem:$0x1FFA0]  }
0xbb: {  	v7 =	vmov s29;
	[tilespmem:v5+s18+$0x0] =	vst.idx.msk $0xffff, v41;
	v5 =	vld [tilespmem:$0x1FFC0]  }
0xbc: {  	v7 =	vshrl.u32 v7, $0x3;
	[tilespmem:v2+s18+$0x0] =	vst.idx.msk $0xffff, v40;
	v2 =	vld [tilespmem:$0x1FFD0]  }
0xbd: {  	v7 =	vshll.u32 v7, v1;
	v4 =	vadd.s32 v4, v6  }
0xbe: {  	v7 =	vbroadcast v7, $0x0;
	v0 =	vadd.s32 v0, v6  }
0xbf: {  	v3 =	vadd.s32 v3, v6  }
0xc0: {  	v5 =	vadd.s32 v5, v7  }
0xc1: {  	v2 =	vadd.s32 v2, v7  }
0xc2: {  	p2 =	sne.s32 s28, $0xFF;
	v32 =	vmov v10;
	v10 =	vld [tilespmem:$0x1FFB0];
	[tilespmem:v4+s18+$0x0] =	vst.idx.msk $0xffff, v39;
	v4 =	vadd.s32 v17, v7  }
.Ltmp2:
0xc3: {  	[tilespmem:v0+s18+$0x0] =	vst.idx.msk $0xffff, v38;
	(pc) =	sbr.rel @p2 .LBB2_6-.Ltmp2, $4  }
0xc4: {  	[tilespmem:v3+s18+$0x0] =	vst.idx.msk $0xffff, v37  }
0xc5: {  	[tilespmem:v5+s18+$0x0] =	vst.idx.msk $0xffff, v36  }
0xc6: {  	v6 =	vmov v20;
	[tilespmem:v2+s18+$0x0] =	vst.idx.msk $0xffff, v35  }
0xc7: {  	s28 =	sadd.s32 $0x8, s28;
	v0 =	vmovc v9;
	v38 =	vadd.s32 v10, v7;
	v3 =	vmov v18;
	[tilespmem:v4+s18+$0x0] =	vst.idx.msk $0xffff, v34;
	v4 =	vmov v19  }
0xc8: {  	_ = 	snop  }
0xc9: {  	s26 =	sshll.u32 s24, $0x14  }
0xca: {  	s26 =	sor.u32 s3, s26  }
0xcb: {  	s26 =	sshrl.u32 s26, $0x3  }
0xcc: {  	[tilespmem:v38+s18+$0x0] =	vst.idx.msk $0xffff, v33;
	s29 =	simm.s32 $0x8200;
	s28 =	sadd.s32 s7, s26  }
0xcd: {  	[hbm4b:s28+s2] =	stream.linear.scatter [tilespmem:s29], [sflag:$0x5], $0x100, $0x38;
	[tilespmem:$0x10600] =	vst v63  }
0xce: {  	s29 =	simm.s32 $0x420  }
.LBB2_8:
0xcf: {  	p2 =	sne.s32 s29, $0x103E0  }
.Ltmp3:
0xd0: {  	_ = 	snop;
	(pc) =	sbr.rel @p2 .LBB2_8-.Ltmp3, $4  }
0xd1: {  	_ = 	snop  }
0xd2: {  	s30 =	sshra.s32 s29, $0x2;
	s29 =	sadd.s32 $0x420, s29  }
0xd3: {  	s28 =	sadd.s32 $0x800, s28;
	s30 =	sadd.s32 $0x8200, s30  }
0xd4: {  	[hbm4b:s28+s2] =	stream.linear.scatter [tilespmem:s30], [sflag:$0x5], $0x100, $0x38;
	[tilespmem:$0x10600] =	vst v63  }
0xd5: {  	_ =	swait.ge [sflag:s19], $0x4000  }
0xd6: {  	[sflag:s19] =	ssyncset.done $0x0  }
0xd7: {  	s28 =	simm.s32 @!p0 $0x1;
	[sflag:s19] =	ssyncadd.s32 $0xFFFFC000  }
0xd8: {  	s29 =	simm.s32 @!p0 $0x0;
	_ =	swait.ge @!p0 [sflag:s28], $0x100  }
0xd9: {  	s30 =	simm.s32 @!p0 $0x200;
	s25 =	sadd.s32 @!p0 s10, s25;
	[sflag:s28] =	ssyncset.done @!p0 $0x0  }
0xda: {  	s25 =	sshrl.u32 @!p0 s25, $0x3;
	[sflag:s28] =	ssyncadd.s32 @!p0 $0xFFFFFF00;
	s28 =	simm.s32 @!p0 $0x100  }
0xdb: {  	[tilespmem:s30], [sflag:$0x3] =	stream.indirect.gather @!p0 [hbm4b:s5+s28], $0x40, s29, s28, $0xb8;
	[tilespmem:$0x10600] =	vst v63  }
0xdc: {  	s25 =	sadd.s32 @!p0 s4, s25  }
0xdd: {  	[tilespmem:s28], [sflag:$0x2] =	stream.linear.gather @!p0 [hbm4b:s25+s29], $0x100, $0x38;
	[tilespmem:$0x10600] =	vst v63  }
0xde: {  	p0 =	por p0, !p1  }
0xdf: {  	_ =	swait.ge @p0 [sflag:s22], $0x4000  }
0xe0: {  	[sflag:s22] =	ssyncset.done @p0 $0x0  }
0xe1: {  	s25 =	simm.s32 $0x4300;
	v10 =	vld [tilespmem:$0x1FE00];
	[sflag:s22] =	ssyncadd.s32 @p0 $0xFFFFC000  }
0xe2: {  	v33 =	vld [tilespmem:s25+$0xF0]  }
0xe3: {  	v34 =	vld [tilespmem:s25+$0xE0]  }
0xe4: {  	v35 =	vld [tilespmem:s25+$0xD0]  }
0xe5: {  	v0 =	vld [tilespmem:s25+$0xC0]  }
0xe6: {  	v2 =	vld [tilespmem:s25+$0xB0]  }
0xe7: {  	v3 =	vld [tilespmem:s25+$0xA0]  }
0xe8: {  	v4 =	vld [tilespmem:s25+$0x90]  }
0xe9: {  	v5 =	vld [tilespmem:s25+$0x80]  }
0xea: {  	v6 =	vld [tilespmem:s25+$0x70]  }
0xeb: {  	v7 =	vld [tilespmem:s25+$0x60]  }
0xec: {  	s28 =	simm.s32 $0x0;
	v8 =	vld [tilespmem:s25+$0x50]  }
0xed: {  	v48 =	vmov s28;
	v36 =	vld [tilespmem:s25+$0x40]  }
0xee: {  	v48 =	vshrl.u32 v48, $0x3;
	v37 =	vld [tilespmem:s25+$0x30]  }
0xef: {  	v48 =	vshll.u32 v48, v1;
	v38 =	vld [tilespmem:s25+$0x20]  }
0xf0: {  	v39 =	vld [tilespmem:s25+$0x10];
	v48 =	vbroadcast v48, $0x0  }
0xf1: {  	v40 =	vld [tilespmem:s25+$0x0]  }
0xf2: {  	v57 =	vadd.s32 v10, v48;
	v10 =	vld [tilespmem:$0x1FE10]  }
0xf3: {  	v41 =	vld [tilespmem:s25+$0xFFFFFFF0]  }
0xf4: {  	v42 =	vld [tilespmem:s25+$0xFFFFFFE0]  }
0xf5: {  	v43 =	vld [tilespmem:s25+$0xFFFFFFD0]  }
0xf6: {  	v44 =	vld [tilespmem:s25+$0xFFFFFFC0]  }
0xf7: {  	v59 =	vadd.s32 v10, v48;
	v10 =	vld [tilespmem:$0x1FE20]  }
0xf8: {  	v45 =	vld [tilespmem:s25+$0xFFFFFFB0]  }
0xf9: {  	v46 =	vld [tilespmem:s25+$0xFFFFFFA0]  }
0xfa: {  	v47 =	vld [tilespmem:s25+$0xFFFFFF90]  }
0xfb: {  	s28 =	simm.s32 $0x1;
	v49 =	vld [tilespmem:s25+$0xFFFFFF80]  }
0xfc: {  	v53 =	vmov s28;
	v55 =	vadd.s32 v9, v48;
	v48 =	vadd.s32 v10, v48;
	v10 =	vld [tilespmem:$0x1FE30]  }
0xfd: {  	v53 =	vshrl.u32 v53, $0x3;
	v50 =	vld [tilespmem:s25+$0xFFFFFF70]  }
0xfe: {  	v51 =	vld [tilespmem:s25+$0xFFFFFF60];
	v53 =	vshll.u32 v53, v1  }
0xff: {  	v52 =	vld [tilespmem:s25+$0xFFFFFF50];
	v53 =	vbroadcast v53, $0x0  }
0x100: {  	v54 =	vld [tilespmem:s25+$0xFFFFFF00]  }
0x101: {  	v63 =	vadd.s32 v10, v53;
	v10 =	vld [tilespmem:$0x1FE40]  }
0x102: {  	v56 =	vld [tilespmem:s25+$0xFFFFFF10]  }
0x103: {  	v58 =	vld [tilespmem:s25+$0xFFFFFF20]  }
0x104: {  	v60 =	vld [tilespmem:s25+$0xFFFFFF30]  }
0x105: {  	v62 =	vld [tilespmem:s25+$0xFFFFFF40]  }
0x106: {  	[tilespmem:v55+s20+$0x0] =	vst.idx.msk $0xffff, v54;
	v54 =	vadd.s32 v10, v53;
	v10 =	vld [tilespmem:$0x1FE50];
	_ =	sdelay $0x4  }
0x107: {  	s28 =	simm.s32 $0x2;
	[tilespmem:v57+s20+$0x0] =	vst.idx.msk $0xffff, v56;
	v56 =	vadd.s32 v10, v53;
	v10 =	vld [tilespmem:$0x1FE60]  }
0x108: {  	v18 =	vld [tilespmem:$0x1FE70];
	v61 =	vmov s28  }
0x109: {  	v19 =	vld [tilespmem:$0x1FE80];
	v61 =	vshrl.u32 v61, $0x3  }
0x10a: {  	v20 =	vld [tilespmem:$0x1FE90];
	v61 =	vshll.u32 v61, v1  }
0x10b: {  	v21 =	vld [tilespmem:$0x1FEA0];
	s28 =	simm.s32 $0x3;
	v55 =	vbroadcast v61, $0x0  }
0x10c: {  	v22 =	vld [tilespmem:$0x1FEB0];
	v32 =	vmov s28;
	[tilespmem:v59+s20+$0x0] =	vst.idx.msk $0xffff, v58;
	v53 =	vadd.s32 v10, v53  }
0x10d: {  	v23 =	vld [tilespmem:$0x1FEC0];
	v57 =	vshrl.u32 v32, $0x3;
	v61 =	vadd.s32 v18, v55;
	[tilespmem:v48+s20+$0x0] =	vst.idx.msk $0xffff, v60  }
0x10e: {  	v24 =	vld [tilespmem:$0x1FED0];
	v57 =	vshll.u32 v57, v1;
	[tilespmem:v63+s20+$0x0] =	vst.idx.msk $0xffff, v62;
	v62 =	vadd.s32 v19, v55  }
0x10f: {  	v25 =	vld [tilespmem:$0x1FEE0];
	s28 =	simm.s32 $0x4;
	v63 =	vbroadcast v57, $0x0;
	[tilespmem:v54+s20+$0x0] =	vst.idx.msk $0xffff, v52;
	v52 =	vadd.s32 v20, v55  }
0x110: {  	v26 =	vld [tilespmem:$0x1FEF0];
	v32 =	vmov s28;
	[tilespmem:v56+s20+$0x0] =	vst.idx.msk $0xffff, v51;
	v51 =	vadd.s32 v21, v55  }
0x111: {  	v27 =	vld [tilespmem:$0x1FF00];
	v59 =	vshrl.u32 v32, $0x3;
	v57 =	vadd.s32 v22, v63;
	[tilespmem:v53+s20+$0x0] =	vst.idx.msk $0xffff, v50  }
0x112: {  	v28 =	vld [tilespmem:$0x1FF10];
	v60 =	vadd.s32 v23, v63;
	[tilespmem:v61+s20+$0x0] =	vst.idx.msk $0xffff, v49;
	v61 =	vshll.u32 v59, v1  }
0x113: {  	v29 =	vld [tilespmem:$0x1FF20];
	s28 =	simm.s32 $0x5;
	[tilespmem:v62+s20+$0x0] =	vst.idx.msk $0xffff, v47;
	v62 =	vadd.s32 v24, v63;
	v49 =	vbroadcast v61, $0x0  }
0x114: {  	v30 =	vld [tilespmem:$0x1FF30];
	v32 =	vmov s28;
	v63 =	vadd.s32 v25, v63;
	[tilespmem:v52+s20+$0x0] =	vst.idx.msk $0xffff, v46  }
0x115: {  	v31 =	vld [tilespmem:$0x1FF40];
	v55 =	vshrl.u32 v32, $0x3;
	[tilespmem:v51+s20+$0x0] =	vst.idx.msk $0xffff, v45;
	v54 =	vadd.s32 v26, v49  }
0x116: {  	v32 =	vld [tilespmem:$0x1FF50];
	v56 =	vadd.s32 v27, v49;
	[tilespmem:v57+s20+$0x0] =	vst.idx.msk $0xffff, v44;
	v57 =	vshll.u32 v55, v1  }
0x117: {  	s28 =	simm.s32 $0x6;
	v10 =	vld [tilespmem:$0x1FF60];
	v58 =	vadd.s32 v28, v49;
	[tilespmem:v60+s20+$0x0] =	vst.idx.msk $0xffff, v43;
	v59 =	vbroadcast v57, $0x0  }
0x118: {  	v11 =	vld [tilespmem:$0x1FF70];
	v61 =	vmov s28;
	v60 =	vadd.s32 v29, v49;
	[tilespmem:v62+s20+$0x0] =	vst.idx.msk $0xffff, v42  }
0x119: {  	v12 =	vld [tilespmem:$0x1FF80];
	[tilespmem:v63+s20+$0x0] =	vst.idx.msk $0xffff, v41;
	v62 =	vadd.s32 v30, v59;
	v63 =	vshrl.u32 v61, $0x3  }
0x11a: {  	v13 =	vld [tilespmem:$0x1FF90];
	v49 =	vadd.s32 v31, v59;
	[tilespmem:v54+s20+$0x0] =	vst.idx.msk $0xffff, v40;
	v50 =	vshll.u32 v63, v1  }
0x11b: {  	v14 =	vld [tilespmem:$0x1FFA0];
	s28 =	simm.s32 $0x7;
	v51 =	vadd.s32 v32, v59;
	[tilespmem:v56+s20+$0x0] =	vst.idx.msk $0xffff, v39;
	v52 =	vbroadcast v50, $0x0  }
0x11c: {  	v15 =	vld [tilespmem:$0x1FFC0];
	v53 =	vadd.s32 v10, v59;
	v54 =	vmov s28;
	[tilespmem:v58+s20+$0x0] =	vst.idx.msk $0xffff, v38  }
0x11d: {  	v56 =	vshrl.u32 v54, $0x3;
	[tilespmem:v60+s20+$0x0] =	vst.idx.msk $0xffff, v37;
	v55 =	vadd.s32 v11, v52  }
0x11e: {  	v58 =	vshll.u32 v56, v1;
	v57 =	vadd.s32 v12, v52;
	[tilespmem:v62+s20+$0x0] =	vst.idx.msk $0xffff, v36  }
0x11f: {  	v59 =	vbroadcast v58, $0x0;
	[tilespmem:v49+s20+$0x0] =	vst.idx.msk $0xffff, v8;
	v8 =	vadd.s32 v13, v52  }
0x120: {  	v16 =	vld [tilespmem:$0x1FFD0];
	v60 =	vadd.s32 v14, v52;
	[tilespmem:v51+s20+$0x0] =	vst.idx.msk $0xffff, v7  }
0x121: {  	v17 =	vld [tilespmem:$0x1FFE0];
	v61 =	vadd.s32 v15, v59;
	[tilespmem:v53+s20+$0x0] =	vst.idx.msk $0xffff, v6  }
0x122: {  	[tilespmem:v55+s20+$0x0] =	vst.idx.msk $0xffff, v5  }
0x123: {  	[tilespmem:v57+s20+$0x0] =	vst.idx.msk $0xffff, v4  }
0x124: {  	[tilespmem:v8+s20+$0x0] =	vst.idx.msk $0xffff, v3  }
0x125: {  	v62 =	vadd.s32 v16, v59;
	[tilespmem:v60+s20+$0x0] =	vst.idx.msk $0xffff, v2  }
0x126: {  	v63 =	vadd.s32 v17, v59;
	[tilespmem:v61+s20+$0x0] =	vst.idx.msk $0xffff, v0;
	v0 =	vld [tilespmem:$0x1FFB0];
	_ =	sdelay $0x3  }
0x127: {  	[tilespmem:v62+s20+$0x0] =	vst.idx.msk $0xffff, v35  }
0x128: {  	s28 =	simm.s32 $0xF;
	[tilespmem:v63+s20+$0x0] =	vst.idx.msk $0xffff, v34;
	v38 =	vadd.s32 v0, v59  }
.LBB2_10:
0x129: {  	_ = 	snop  }
0x12a: {  	v55 =	vld [tilespmem:$0x1FFF0]  }
0x12b: {  	v57 =	vld [tilespmem:$0x1FE00]  }
0x12c: {  	v59 =	vld [tilespmem:$0x1FE10]  }
0x12d: {  	[tilespmem:v38+s20+$0x0] =	vst.idx.msk $0xffff, v33;
	s25 =	sadd.s32 $0x200, s25;
	v61 =	vld [tilespmem:$0x1FE20]  }
0x12e: {  	v33 =	vld [tilespmem:s25+$0xF0]  }
0x12f: {  	v34 =	vld [tilespmem:s25+$0xE0]  }
0x130: {  	v35 =	vld [tilespmem:s25+$0xD0]  }
0x131: {  	v36 =	vld [tilespmem:s25+$0xC0]  }
0x132: {  	v37 =	vld [tilespmem:s25+$0xB0]  }
0x133: {  	v38 =	vld [tilespmem:s25+$0xA0]  }
0x134: {  	v39 =	vld [tilespmem:s25+$0x90]  }
0x135: {  	v40 =	vld [tilespmem:s25+$0x80]  }
0x136: {  	v41 =	vld [tilespmem:s25+$0x70]  }
0x137: {  	v42 =	vld [tilespmem:s25+$0x60]  }
0x138: {  	v43 =	vld [tilespmem:s25+$0x50]  }
0x139: {  	v44 =	vld [tilespmem:s25+$0x40]  }
0x13a: {  	v45 =	vld [tilespmem:s25+$0x30]  }
0x13b: {  	v46 =	vld [tilespmem:s25+$0x20]  }
0x13c: {  	v0 =	vld [tilespmem:s25+$0x10]  }
0x13d: {  	v2 =	vld [tilespmem:s25+$0x0]  }
0x13e: {  	v3 =	vld [tilespmem:s25+$0xFFFFFFF0]  }
0x13f: {  	v4 =	vld [tilespmem:s25+$0xFFFFFFE0]  }
0x140: {  	v5 =	vld [tilespmem:s25+$0xFFFFFFD0]  }
0x141: {  	v6 =	vld [tilespmem:s25+$0xFFFFFFC0]  }
0x142: {  	s29 =	smov.u32 s28;
	v7 =	vld [tilespmem:s25+$0xFFFFFFB0]  }
0x143: {  	s30 =	sadd.s32 $0xFFFFFFF9, s29;
	v8 =	vld [tilespmem:s25+$0xFFFFFFA0]  }
0x144: {  	v47 =	vld [tilespmem:s25+$0xFFFFFF90];
	v48 =	vmov s30  }
0x145: {  	v49 =	vld [tilespmem:s25+$0xFFFFFF80];
	v48 =	vshrl.u32 v48, $0x3  }
0x146: {  	v50 =	vld [tilespmem:s25+$0xFFFFFF70];
	v48 =	vshll.u32 v48, v1  }
0x147: {  	v51 =	vld [tilespmem:s25+$0xFFFFFF60];
	v48 =	vbroadcast v48, $0x0  }
0x148: {  	v52 =	vld [tilespmem:s25+$0xFFFFFF50]  }
0x149: {  	v54 =	vld [tilespmem:s25+$0xFFFFFF00];
	v55 =	vadd.s32 v55, v48  }
0x14a: {  	s31 =	sadd.s32 $0xFFFFFFFA, s29;
	v56 =	vld [tilespmem:s25+$0xFFFFFF10]  }
0x14b: {  	v58 =	vld [tilespmem:s25+$0xFFFFFF20];
	v53 =	vmov s31;
	s31 =	sadd.s32 $0xFFFFFFFB, s29;
	v57 =	vadd.s32 v57, v48  }
0x14c: {  	v60 =	vld [tilespmem:s25+$0xFFFFFF30];
	v59 =	vadd.s32 v59, v48;
	v48 =	vadd.s32 v61, v48;
	v61 =	vmov s31  }
0x14d: {  	v62 =	vld [tilespmem:s25+$0xFFFFFF40];
	v61 =	vshrl.u32 v61, $0x3  }
0x14e: {  	[tilespmem:v55+s20+$0x0] =	vst.idx.msk $0xffff, v54;
	v55 =	vshll.u32 v61, v1;
	v61 =	vld [tilespmem:$0x1FE50]  }
0x14f: {  	v53 =	vshrl.u32 v53, $0x3  }
0x150: {  	v63 =	vld [tilespmem:$0x1FE30];
	v53 =	vshll.u32 v53, v1  }
0x151: {  	v53 =	vbroadcast v53, $0x0;
	v54 =	vld [tilespmem:$0x1FE40];
	_ =	sdelay $0x1  }
0x152: {  	[tilespmem:v57+s20+$0x0] =	vst.idx.msk $0xffff, v56;
	v56 =	vadd.s32 v61, v53;
	v61 =	vld [tilespmem:$0x1FE60];
	_ =	sdelay $0x1  }
0x153: {  	v63 =	vadd.s32 v63, v53  }
0x154: {  	v54 =	vadd.s32 v54, v53  }
0x155: {  	s31 =	sadd.s32 $0xFFFFFFFC, s29;
	v55 =	vbroadcast v55, $0x0  }
0x156: {  	[tilespmem:v59+s20+$0x0] =	vst.idx.msk $0xffff, v58;
	v53 =	vadd.s32 v61, v53;
	v61 =	vmov s31  }
0x157: {  	[tilespmem:v48+s20+$0x0] =	vst.idx.msk $0xffff, v60;
	v48 =	vadd.s32 v18, v55;
	v57 =	vshrl.u32 v61, $0x3  }
0x158: {  	v58 =	vadd.s32 v19, v55;
	[tilespmem:v63+s20+$0x0] =	vst.idx.msk $0xffff, v62;
	v57 =	vshll.u32 v57, v1  }
0x159: {  	s31 =	sadd.s32 $0xFFFFFFFD, s29;
	[tilespmem:v54+s20+$0x0] =	vst.idx.msk $0xffff, v52;
	v52 =	vadd.s32 v20, v55;
	v60 =	vbroadcast v57, $0x0  }
0x15a: {  	[tilespmem:v56+s20+$0x0] =	vst.idx.msk $0xffff, v51;
	v61 =	vadd.s32 v21, v55;
	v62 =	vmov s31  }
0x15b: {  	v63 =	vshrl.u32 v62, $0x3;
	[tilespmem:v53+s20+$0x0] =	vst.idx.msk $0xffff, v50;
	v50 =	vadd.s32 v22, v60  }
0x15c: {  	v57 =	vshll.u32 v63, v1;
	v56 =	vadd.s32 v23, v60;
	[tilespmem:v48+s20+$0x0] =	vst.idx.msk $0xffff, v49  }
0x15d: {  	s31 =	sadd.s32 $0xFFFFFFFE, s29;
	v59 =	vadd.s32 v24, v60;
	v49 =	vbroadcast v57, $0x0;
	[tilespmem:v58+s20+$0x0] =	vst.idx.msk $0xffff, v47  }
0x15e: {  	[tilespmem:v52+s20+$0x0] =	vst.idx.msk $0xffff, v8;
	v8 =	vadd.s32 v25, v60;
	v60 =	vmov s31  }
0x15f: {  	[tilespmem:v61+s20+$0x0] =	vst.idx.msk $0xffff, v7;
	v61 =	vadd.s32 v26, v49;
	v62 =	vshrl.u32 v60, $0x3  }
0x160: {  	v63 =	vadd.s32 v27, v49;
	[tilespmem:v50+s20+$0x0] =	vst.idx.msk $0xffff, v6;
	v52 =	vshll.u32 v62, v1  }
0x161: {  	s31 =	sadd.s32 $0xFFFFFFFF, s29;
	v53 =	vadd.s32 v28, v49;
	[tilespmem:v56+s20+$0x0] =	vst.idx.msk $0xffff, v5;
	v54 =	vbroadcast v52, $0x0  }
0x162: {  	v55 =	vadd.s32 v29, v49;
	v56 =	vmov s31;
	[tilespmem:v59+s20+$0x0] =	vst.idx.msk $0xffff, v4  }
0x163: {  	[tilespmem:v8+s20+$0x0] =	vst.idx.msk $0xffff, v3;
	v3 =	vadd.s32 v30, v54;
	v8 =	vshrl.u32 v56, $0x3  }
0x164: {  	[tilespmem:v61+s20+$0x0] =	vst.idx.msk $0xffff, v2;
	v2 =	vadd.s32 v31, v54;
	v57 =	vshll.u32 v8, v1  }
0x165: {  	[tilespmem:v63+s20+$0x0] =	vst.idx.msk $0xffff, v0;
	v0 =	vadd.s32 v32, v54;
	v58 =	vbroadcast v57, $0x0  }
0x166: {  	v59 =	vadd.s32 v10, v54;
	[tilespmem:v53+s20+$0x0] =	vst.idx.msk $0xffff, v46  }
0x167: {  	v60 =	vmov s29;
	[tilespmem:v55+s20+$0x0] =	vst.idx.msk $0xffff, v45;
	v61 =	vadd.s32 v11, v58  }
0x168: {  	v7 =	vshrl.u32 v60, $0x3;
	[tilespmem:v3+s20+$0x0] =	vst.idx.msk $0xffff, v44;
	v3 =	vadd.s32 v12, v58  }
0x169: {  	v7 =	vshll.u32 v7, v1;
	[tilespmem:v2+s20+$0x0] =	vst.idx.msk $0xffff, v43;
	v2 =	vadd.s32 v13, v58  }
0x16a: {  	v7 =	vbroadcast v7, $0x0;
	[tilespmem:v0+s20+$0x0] =	vst.idx.msk $0xffff, v42  }
0x16b: {  	v0 =	vadd.s32 v14, v58;
	[tilespmem:v59+s20+$0x0] =	vst.idx.msk $0xffff, v41  }
0x16c: {  	v62 =	vadd.s32 v15, v7;
	[tilespmem:v61+s20+$0x0] =	vst.idx.msk $0xffff, v40  }
0x16d: {  	v63 =	vadd.s32 v16, v7;
	[tilespmem:v3+s20+$0x0] =	vst.idx.msk $0xffff, v39  }
0x16e: {  	p0 =	sne.s32 s28, $0xFF;
	v3 =	vadd.s32 v17, v7;
	[tilespmem:v2+s20+$0x0] =	vst.idx.msk $0xffff, v38;
	v2 =	vld [tilespmem:$0x1FFB0]  }
.Ltmp4:
0x16f: {  	_ = 	snop;
	(pc) =	sbr.rel @p0 .LBB2_10-.Ltmp4, $4  }
0x170: {  	[tilespmem:v0+s20+$0x0] =	vst.idx.msk $0xffff, v37  }
0x171: {  	[tilespmem:v62+s20+$0x0] =	vst.idx.msk $0xffff, v36  }
0x172: {  	[tilespmem:v63+s20+$0x0] =	vst.idx.msk $0xffff, v35  }
0x173: {  	s28 =	sadd.s32 $0x8, s28;
	[tilespmem:v3+s20+$0x0] =	vst.idx.msk $0xffff, v34;
	v38 =	vadd.s32 v2, v7  }
0x174: {  	_ =	sdelay $0x2  }
0x175: {  	s25 =	sadd.s32 s26, s7  }
0x176: {  	[tilespmem:v38+s20+$0x0] =	vst.idx.msk $0xffff, v33;
	s31 =	simm.s32 $0xC400;
	s26 =	simm.s32 $0x420;
	s25 =	sadd.s32 $0x20, s25  }
0x177: {  	[hbm4b:s25+s2] =	stream.linear.scatter [tilespmem:s31], [sflag:$0x6], $0x100, $0x38;
	[tilespmem:$0x10600] =	vst v63  }
.LBB2_12:
0x178: {  	p0 =	sne.s32 s26, $0x103E0  }
.Ltmp5:
0x179: {  	_ = 	snop;
	(pc) =	sbr.rel @p0 .LBB2_12-.Ltmp5, $4  }
0x17a: {  	_ = 	snop  }
0x17b: {  	s28 =	sshra.s32 s26, $0x2;
	s26 =	sadd.s32 $0x420, s26  }
0x17c: {  	s25 =	sadd.s32 $0x800, s25;
	s28 =	sadd.s32 $0xC400, s28  }
0x17d: {  	[hbm4b:s25+s2] =	stream.linear.scatter [tilespmem:s28], [sflag:$0x6], $0x100, $0x38;
	[tilespmem:$0x10600] =	vst v63  }
0x17e: {  	v3 =	vld [tilespmem:$0x1FE00]  }
0x17f: {  	v4 =	vld [tilespmem:$0x1FE10]  }
0x180: {  	v6 =	vld [tilespmem:$0x1FE20]  }
0x181: {  	v8 =	vld [tilespmem:$0x1FE30]  }
0x182: {  	v5 =	vld [tilespmem:$0x1FE40]  }
0x183: {  	v7 =	vld [tilespmem:$0x1FE50]  }
0x184: {  	v0 =	vmov v9;
	v9 =	vld [tilespmem:$0x1FE60]  }
0x185: {  	v14 =	vld [tilespmem:$0x1FE70]  }
0x186: {  	v21 =	vld [tilespmem:$0x1FE80]  }
0x187: {  	v26 =	vld [tilespmem:$0x1FE90]  }
0x188: {  	v27 =	vld [tilespmem:$0x1FEA0]  }
0x189: {  	v28 =	vld [tilespmem:$0x1FEB0]  }
0x18a: {  	v29 =	vld [tilespmem:$0x1FEC0]  }
0x18b: {  	v30 =	vld [tilespmem:$0x1FED0]  }
0x18c: {  	v31 =	vld [tilespmem:$0x1FEE0]  }
0x18d: {  	v32 =	vld [tilespmem:$0x1FEF0]  }
0x18e: {  	v18 =	vld [tilespmem:$0x1FF00]  }
0x18f: {  	v19 =	vld [tilespmem:$0x1FF10]  }
0x190: {  	v20 =	vld [tilespmem:$0x1FF20]  }
0x191: {  	v22 =	vld [tilespmem:$0x1FF30]  }
0x192: {  	v23 =	vld [tilespmem:$0x1FF40]  }
0x193: {  	v24 =	vld [tilespmem:$0x1FF50]  }
0x194: {  	v25 =	vld [tilespmem:$0x1FF60]  }
0x195: {  	s24 =	sadd.s32 $0x1, s24;
	v10 =	vld [tilespmem:$0x1FF70]  }
0x196: {  	v11 =	vld [tilespmem:$0x1FF80];
	p0 =	sne.s32 s24, $0xC8  }
.Ltmp6:
0x197: {  	v12 =	vld [tilespmem:$0x1FF90];
	(pc) =	sbr.rel @p0 .LBB2_2-.Ltmp6, $4  }
0x198: {  	v13 =	vld [tilespmem:$0x1FFA0]  }
0x199: {  	v15 =	vld [tilespmem:$0x1FFC0]  }
0x19a: {  	v16 =	vld [tilespmem:$0x1FFD0]  }
0x19b: {  	v17 =	vld [tilespmem:$0x1FFE0]  }
0x19c: {  	s23 =	sadd.s32 $0x1, s23  }
0x19d: {  	_ =	swait.ge [sflag:s21], $0x4000;
	p0 =	sne.s32 s23, s11  }
.Ltmp7:
0x19e: {  	[sflag:s21] =	ssyncset.done $0x0;
	(pc) =	sbr.rel @p0 .LBB2_1-.Ltmp7, $4  }
0x19f: {  	[sflag:s21] =	ssyncadd.s32 $0xFFFFC000  }
0x1a0: {  	_ =	swait.ge [sflag:s22], $0x4000  }
0x1a1: {  	[sflag:s22] =	ssyncset.done $0x0  }
0x1a2: {  	[sflag:s22] =	ssyncadd.s32 $0xFFFFC000  }
0x1a3: {  	_ =	sfence.sel $0x180000  }
0x1a4: {  	[bflag:$0x0] =	sbarrier.arrive $0xFFFF  }
0x1a5: {  	p0 =	sne.s32 s1, $0x0;
	_ =	strace $0x90000047  }
0x1a6: {  	s0 =	sadd.s32 @!p0 $0x100000, s0;
	[bflag:$0x2] =	sbarrier.arrive $0xFFFF  }
0x1a7: {  	[sflag:s0] =	ssyncadd.tile.s32 @!p0 $0x1;
	_ =	shalt  }
.Lfunc_end2:
_tile_overlayer_lowered:
.L_overlay_start_2:
0x1a8: {  	(tag) =	ssettag $0x2  }
0x1a9: {  	s0 =	rddreg [dreg:$0x0];
	s2 =	stileid.u32  }
0x1aa: {  	s1 =	rddreg [dreg:$0x1];
	p0 =	sne.s32 s2, $0x0  }
0x1ab: {  	s3 =	rddreg [dreg:$0x2];
	[bflag:$0x3] =	sbarrier.arrive $0xFFFF;
	s2 =	simm.s32 @!p0 $0x1C07  }
0x1ac: {  	[timem:s3], [sflag:s2] =	dma.local @!p0 [hbm:s0], s1  }
0x1ad: {  	s0 =	simm.s32 @!p0 $0x7  }
0x1ae: {  	_ =	swait.ge @!p0 [sflag:s0], s1  }
0x1af: {  	s1 =	ssub.s32 @!p0 $0x0, s1;
	[sflag:s0] =	ssyncset.done @!p0 $0x0  }
0x1b0: {  	[sflag:s0] =	ssyncadd.s32 @!p0 s1  }
0x1b1: {  	[bflag:$0x3] =	sbarrier.arrive $0xFFFF  }
0x1b2: {  	_ =	shalt  }

</sc_bundles>
